<compile_context>
chip_gen: v7x
topology: tpu7x:2x2x1
jax: 0.10.2.dev20260603
libtpu: 0.0.44.dev20260713+nightly
codegen_flags: <defaults>
</compile_context>

<pallas_src>
import functools

import jax
import jax.numpy as jnp
from jax import lax
from jax.experimental import pallas as pl
from jax.experimental.pallas import tpu as pltpu
from jax.experimental.pallas import tpu_sc as plsc

NUM_FIELDS = 26
VOCAB = 100000
EMB = 32
BATCH = 16384

N_ROWS = BATCH * NUM_FIELDS
NC, NS, LANES = 2, 16, 16
NW = NC * NS
ROWS_PER_W = N_ROWS // NW
CHUNK = 1664
NCHUNKS = ROWS_PER_W // CHUNK
GATHER = 128
NGATHER = CHUNK // GATHER
NVEC = CHUNK // LANES
NROWBLK = N_ROWS // CHUNK

PACK = 128 // EMB


def _tc_relayout(tab_t):
    QUART = VOCAB // PACK
    STEP = 5000

    def body(in_ref, out_ref):
        for s in range(QUART // STEP):
            m = jnp.concatenate(
                [
                    in_ref[0, :, j * QUART + s * STEP:j * QUART + (s + 1) * STEP]
                    for j in range(PACK)
                ],
                axis=0,
            )
            out_ref[s * STEP:(s + 1) * STEP, :] = m.T

    return pl.pallas_call(
        body,
        grid=(NUM_FIELDS,),
        in_specs=[
            pl.BlockSpec((1, EMB, VOCAB), lambda f: (f, 0, 0)),
        ],
        out_specs=pl.BlockSpec((VOCAB // PACK, 128), lambda f: (f, 0)),
        out_shape=jax.ShapeDtypeStruct(
            (NUM_FIELDS * VOCAB // PACK, 128), jnp.float32
        ),
        compiler_params=pltpu.CompilerParams(vmem_limit_bytes=100 * 2**20),
    )(tab_t)


def _sc_gather(tab, x2d, offs):
    mesh = plsc.VectorSubcoreMesh(core_axis_name="c", subcore_axis_name="s")

    @functools.partial(
        pl.kernel,
        mesh=mesh,
        out_type=jax.ShapeDtypeStruct((NROWBLK, CHUNK, EMB), jnp.float32),
        scratch_types=[
            pltpu.VMEM((CHUNK,), jnp.int32),
            pltpu.VMEM((CHUNK,), jnp.int32),
            pltpu.VMEM((CHUNK,), jnp.int32),
            pltpu.VMEM((CHUNK, EMB), jnp.float32),
            pltpu.SemaphoreType.DMA,
        ],
        compiler_params=pltpu.CompilerParams(use_tc_tiling_on_sc=False),
    )
    def k(x_hbm, offs_hbm, tab_hbm, out_hbm, x_v, offs_v, idx_v, rows_v, sem):
        wid = lax.axis_index("s") * NC + lax.axis_index("c")
        pltpu.sync_copy(offs_hbm, offs_v)

        def chunk_body(ci, carry):
            blk = wid * NCHUNKS + ci
            pltpu.sync_copy(x_hbm.at[blk], x_v)

            def add_body(i, c2):
                o = pl.multiple_of(i * LANES, LANES)
                v = x_v[pl.ds(o, LANES)]
                quart = (
                    jnp.where(v >= (VOCAB // PACK), 1, 0)
                    + jnp.where(v >= 2 * (VOCAB // PACK), 1, 0)
                    + jnp.where(v >= 3 * (VOCAB // PACK), 1, 0)
                )
                idx_v[pl.ds(o, LANES)] = (
                    offs_v[pl.ds(o, LANES)]
                    + (v - quart * (VOCAB // PACK)) * PACK
                    + quart
                )
                return c2

            lax.fori_loop(0, NVEC, add_body, 0)

            cps = [
                pltpu.async_copy(
                    tab_hbm.at[idx_v.at[pl.ds(g * GATHER, GATHER)]],
                    rows_v.at[pl.ds(g * GATHER, GATHER)],
                    sem,
                )
                for g in range(NGATHER)
            ]
            for cp in cps:
                cp.wait()
            pltpu.sync_copy(rows_v, out_hbm.at[blk])
            return carry

        lax.fori_loop(0, NCHUNKS, chunk_body, 0)

    return k(x2d, offs, tab)


def kernel(x, tables):
    tab_flat = _tc_relayout(tables.transpose(0, 2, 1)).reshape(
        NUM_FIELDS * VOCAB, EMB
    )
    xf = x.astype(jnp.int32).reshape(NROWBLK, CHUNK)
    offs = (jnp.arange(CHUNK, dtype=jnp.int32) % NUM_FIELDS) * VOCAB
    out = _sc_gather(tab_flat, xf, offs)
    return out.reshape(BATCH, NUM_FIELDS * EMB)

# --- scband reference (transcript-rebuilt; emitter-appended) ---
"""Pipeline reference for scband-integer-embedding-23235773071630 (READ-ONLY COPY).

The authoritative reference and input builder live on the scoring server;
editing this copy changes nothing except your own understanding.
"""

import jax, jax.numpy as jnp
import numpy as np
import math

NUM_FIELDS = 26
VOCAB = 100000
EMB = 32
BATCH = 16384


def setup_inputs(seed: int = 0) -> dict:
    key = jax.random.key(seed)
    kx, kt = jax.random.split(key)
    # indices (int dtype; jax default int32 is fine, values < VOCAB)
    x = jax.random.randint(kx, (BATCH, NUM_FIELDS), 0, VOCAB, dtype=jnp.int32)
    # Xavier-uniform init with gain=calculate_gain('relu')=sqrt(2)
    # fan_in = num_embeddings, fan_out = embedding_dim for nn.Embedding weight [V, E]
    gain = math.sqrt(2.0)
    bound = gain * math.sqrt(6.0 / (VOCAB + EMB))
    tables = jax.random.uniform(kt, (NUM_FIELDS, VOCAB, EMB), minval=-bound, maxval=bound, dtype=jnp.float32)
    return {"x": x, "tables": tables}


def reference(x, tables):
    # x.long() in torch -> ensure integer dtype
    idx = x.astype(jnp.int32)
    # len(embedding_dims) > 1, so no unsqueeze; per-field embedding lookup, concat on last dim
    outs = [jnp.take(tables[i], idx[..., i], axis=0) for i in range(NUM_FIELDS)]
    out = jnp.concatenate(outs, axis=-1)  # [BATCH, NUM_FIELDS * EMB]
    # use_batchnorm=False, so no batchnorm applied
    return out

if __name__ == "__main__":
    import jax
    _d = setup_inputs()
    print(jax.jit(kernel)(*tuple(_d.values())))

</pallas_src>

<mosaic_0001>
#map = affine_map<(d0, d1) -> (0, 0)>
#map1 = affine_map<(d0, d1) -> (0)>
#map2 = affine_map<(d0, d1) -> (0, 0, 0)>
module attributes {stable_mosaic.version = 14 : i64} {
  func.func @k(%arg0: i32, %arg1: i32, %arg2: memref<256x1664xi32, #tpu.memory_space<hbm>>, %arg3: memref<1664xi32, #tpu.memory_space<hbm>>, %arg4: memref<2600000x32xf32, #tpu.memory_space<hbm>>, %arg5: memref<256x1664x32xf32, #tpu.memory_space<hbm>>, %arg6: memref<1664xi32, #tpu.memory_space<vmem>>, %arg7: memref<1664xi32, #tpu.memory_space<vmem>>, %arg8: memref<1664xi32, #tpu.memory_space<vmem>>, %arg9: memref<1664x32xf32, #tpu.memory_space<vmem>>, %arg10: memref<!tpu.dma_semaphore, #tpu.memory_space<semaphore_mem>>) attributes {dimension_semantics = [#tpu.dimension_semantics<core_parallel>, #tpu.dimension_semantics<subcore_parallel>], iteration_bounds = array<i64: 2, 16>, scalar_prefetch = 0 : i64, scratch_operands = 5 : i64, tpu.core_type = #tpu.core_type<sc_vector_subcore>, window_params = [{transform_indices = #map}, {transform_indices = #map1}, {transform_indices = #map}, {transform_indices = #map2}]} {
    %mul3A = arith.constant 2 : i32
    %mul3A_0 = arith.muli %arg1, %mul3A : i32
    %add3A = arith.addi %mul3A_0, %arg0 : i32
    "tpu.region"() ({
      %run_scoped3A = tpu.sem_alloc : memref<!tpu.dma_semaphore, #tpu.memory_space<semaphore_mem>>
      tpu.enqueue_dma source(%arg3 : memref<1664xi32, #tpu.memory_space<hbm>>) target(%arg7 : memref<1664xi32, #tpu.memory_space<vmem>>) target_semaphore(%run_scoped3A : memref<!tpu.dma_semaphore, #tpu.memory_space<semaphore_mem>>)
      tpu.wait_dma2 semaphore(%run_scoped3A : memref<!tpu.dma_semaphore, #tpu.memory_space<semaphore_mem>>) src(%arg3 : memref<1664xi32, #tpu.memory_space<hbm>>) dst(%arg7 : memref<1664xi32, #tpu.memory_space<vmem>>)
      tpu.yield
    }) : () -> ()
    %scan3A = arith.constant 0 : i32
    %scan3A_1 = arith.constant 0 : i32
    %scan3A_2 = arith.constant 8 : i32
    %scan3A_3 = arith.addi %scan3A_1, %scan3A_2 : i32
    %scan3A_4 = arith.constant 1 : i32
    scf.for %scan3A_6 = %scan3A_1 to %scan3A_3 step %scan3A_4  : i32 {
      %mul3A_7 = arith.constant 8 : i32
      %mul3A_8 = arith.muli %add3A, %mul3A_7 : i32
      %add3A_9 = arith.addi %mul3A_8, %scan3A_6 : i32
      "tpu.region"() ({
        %run_scoped3A = tpu.sem_alloc : memref<!tpu.dma_semaphore, #tpu.memory_space<semaphore_mem>>
        %dma_start3A_222 = arith.constant 0 : i32
        %dma_start3A_223 = tpu.memref_slice %arg2[%add3A_9, %dma_start3A_222] : memref<256x1664xi32, #tpu.memory_space<hbm>> -> memref<1x1664xi32, #tpu.memory_space<hbm>>
        %dma_start3A_224 = tpu.memref_squeeze %dma_start3A_223 : memref<1x1664xi32, #tpu.memory_space<hbm>> -> memref<1664xi32, #tpu.memory_space<hbm>>
        %dma_start3A_225 = arith.constant 0 : i32
        %dma_start3A_226 = tpu.memref_slice %arg2[%add3A_9, %dma_start3A_225] : memref<256x1664xi32, #tpu.memory_space<hbm>> -> memref<1x1664xi32, #tpu.memory_space<hbm>>
        %dma_start3A_227 = tpu.memref_squeeze %dma_start3A_226 : memref<1x1664xi32, #tpu.memory_space<hbm>> -> memref<1664xi32, #tpu.memory_space<hbm>>
        tpu.enqueue_dma source(%dma_start3A_227 : memref<1664xi32, #tpu.memory_space<hbm>>) target(%arg6 : memref<1664xi32, #tpu.memory_space<vmem>>) target_semaphore(%run_scoped3A : memref<!tpu.dma_semaphore, #tpu.memory_space<semaphore_mem>>)
        %dma_wait3A_228 = arith.constant 0 : i32
        %dma_wait3A_229 = tpu.memref_slice %arg2[%add3A_9, %dma_wait3A_228] : memref<256x1664xi32, #tpu.memory_space<hbm>> -> memref<1x1664xi32, #tpu.memory_space<hbm>>
        %dma_wait3A_230 = tpu.memref_squeeze %dma_wait3A_229 : memref<1x1664xi32, #tpu.memory_space<hbm>> -> memref<1664xi32, #tpu.memory_space<hbm>>
        %dma_wait3A_231 = arith.constant 0 : i32
        %dma_wait3A_232 = tpu.memref_slice %arg2[%add3A_9, %dma_wait3A_231] : memref<256x1664xi32, #tpu.memory_space<hbm>> -> memref<1x1664xi32, #tpu.memory_space<hbm>>
        %dma_wait3A_233 = tpu.memref_squeeze %dma_wait3A_232 : memref<1x1664xi32, #tpu.memory_space<hbm>> -> memref<1664xi32, #tpu.memory_space<hbm>>
        tpu.wait_dma2 semaphore(%run_scoped3A : memref<!tpu.dma_semaphore, #tpu.memory_space<semaphore_mem>>) src(%dma_wait3A_233 : memref<1664xi32, #tpu.memory_space<hbm>>) dst(%arg6 : memref<1664xi32, #tpu.memory_space<vmem>>)
        tpu.yield
      }) : () -> ()
      %scan3A_10 = arith.constant 0 : i32
      %scan3A_11 = arith.constant 0 : i32
      %scan3A_12 = arith.constant 104 : i32
      %scan3A_13 = arith.addi %scan3A_11, %scan3A_12 : i32
      %scan3A_14 = arith.constant 1 : i32
      scf.for %scan3A_222 = %scan3A_11 to %scan3A_13 step %scan3A_14  : i32 {
        %mul3A_223 = arith.constant 16 : i32
        %mul3A_224 = arith.muli %scan3A_222, %mul3A_223 : i32
        %multiple_of3A = tpu.assume_multiple %mul3A_224, 16 : i32
        %get3A = arith.index_cast %multiple_of3A : i32 to index
        %get3A_225 = tpu.vector_load %arg6[%get3A] {strides = array<i32>} : memref<1664xi32, #tpu.memory_space<vmem>>, vector<16xi32>,
        %get3A_226 = vector.shape_cast %get3A_225 : vector<16xi32> to vector<16xi32>
        %ge3A = arith.constant 25000 : i32
        %ge3A_227 = vector.broadcast %ge3A : i32 to vector<16xi32>
        %ge3A_228 = arith.cmpi sge, %get3A_226, %ge3A_227 : vector<16xi32>
        %jit3A = arith.constant 1 : i32
        %jit3A_229 = arith.constant 0 : i32
        %broadcast_in_dim3A = vector.broadcast %jit3A : i32 to vector<16xi32>
        %broadcast_in_dim3A_230 = vector.broadcast %jit3A_229 : i32 to vector<16xi32>
        %select_n3A = arith.select %ge3A_228, %broadcast_in_dim3A, %broadcast_in_dim3A_230 : vector<16xi1>, vector<16xi32>
        %ge3A_231 = arith.constant 50000 : i32
        %ge3A_232 = vector.broadcast %ge3A_231 : i32 to vector<16xi32>
        %ge3A_233 = arith.cmpi sge, %get3A_226, %ge3A_232 : vector<16xi32>
        %jit3A_234 = arith.constant 1 : i32
        %jit3A_235 = arith.constant 0 : i32
        %broadcast_in_dim3A_236 = vector.broadcast %jit3A_234 : i32 to vector<16xi32>
        %broadcast_in_dim3A_237 = vector.broadcast %jit3A_235 : i32 to vector<16xi32>
        %select_n3A_238 = arith.select %ge3A_233, %broadcast_in_dim3A_236, %broadcast_in_dim3A_237 : vector<16xi1>, vector<16xi32>
        %add3A_239 = arith.addi %select_n3A, %select_n3A_238 : vector<16xi32>
        %ge3A_240 = arith.constant 75000 : i32
        %ge3A_241 = vector.broadcast %ge3A_240 : i32 to vector<16xi32>
        %ge3A_242 = arith.cmpi sge, %get3A_226, %ge3A_241 : vector<16xi32>
        %jit3A_243 = arith.constant 1 : i32
        %jit3A_244 = arith.constant 0 : i32
        %broadcast_in_dim3A_245 = vector.broadcast %jit3A_243 : i32 to vector<16xi32>
        %broadcast_in_dim3A_246 = vector.broadcast %jit3A_244 : i32 to vector<16xi32>
        %select_n3A_247 = arith.select %ge3A_242, %broadcast_in_dim3A_245, %broadcast_in_dim3A_246 : vector<16xi1>, vector<16xi32>
        %add3A_248 = arith.addi %add3A_239, %select_n3A_247 : vector<16xi32>
        %get3A_249 = arith.index_cast %multiple_of3A : i32 to index
        %get3A_250 = tpu.vector_load %arg7[%get3A_249] {strides = array<i32>} : memref<1664xi32, #tpu.memory_space<vmem>>, vector<16xi32>,
        %get3A_251 = vector.shape_cast %get3A_250 : vector<16xi32> to vector<16xi32>
        %mul3A_252 = arith.constant 25000 : i32
        %mul3A_253 = vector.broadcast %mul3A_252 : i32 to vector<16xi32>
        %mul3A_254 = arith.muli %add3A_248, %mul3A_253 : vector<16xi32>
        %sub3A = arith.subi %get3A_226, %mul3A_254 : vector<16xi32>
        %mul3A_255 = arith.constant 4 : i32
        %mul3A_256 = vector.broadcast %mul3A_255 : i32 to vector<16xi32>
        %mul3A_257 = arith.muli %sub3A, %mul3A_256 : vector<16xi32>
        %add3A_258 = arith.addi %get3A_251, %mul3A_257 : vector<16xi32>
        %add3A_259 = arith.addi %add3A_258, %add3A_248 : vector<16xi32>
        %swap3A = arith.index_cast %multiple_of3A : i32 to index
        %swap3A_260 = tpu.vector_load %arg8[%swap3A] {strides = array<i32>} : memref<1664xi32, #tpu.memory_space<vmem>>, vector<16xi32>,
        %swap3A_261 = vector.shape_cast %swap3A_260 : vector<16xi32> to vector<16xi32>
        %swap3A_262 = vector.shape_cast %add3A_259 : vector<16xi32> to vector<16xi32>
        tpu.vector_store %arg8[%swap3A], %swap3A_262 {strides = array<i32>} : memref<1664xi32, #tpu.memory_space<vmem>>, vector<16xi32>,
      }
      %scan3A_15 = arith.constant 104 : i32
      %dma_start3A = arith.constant 0 : i32
      %dma_start3A_16 = arith.constant 0 : i32
      %dma_start3A_17 = tpu.memref_slice %arg9[%dma_start3A, %dma_start3A_16] : memref<1664x32xf32, #tpu.memory_space<vmem>> -> memref<128x32xf32, #tpu.memory_space<vmem>>
      %dma_start3A_18 = arith.constant 0 : i32
      %dma_start3A_19 = tpu.memref_slice %arg8[%dma_start3A_18] : memref<1664xi32, #tpu.memory_space<vmem>> -> memref<128xi32, #tpu.memory_space<vmem>>
      %dma_start3A_20 = arith.constant 0 : i32
      %dma_start3A_21 = arith.constant 0 : i32
      %dma_start3A_22 = tpu.memref_slice %arg4[%dma_start3A_20, %dma_start3A_21] : memref<2600000x32xf32, #tpu.memory_space<hbm>> -> memref<2600000x32xf32, #tpu.memory_space<hbm>>
      tpu.enqueue_indirect_dma source(%dma_start3A_22 : memref<2600000x32xf32, #tpu.memory_space<hbm>>) target(%dma_start3A_17 : memref<128x32xf32, #tpu.memory_space<vmem>>) offsets(%dma_start3A_19 : memref<128xi32, #tpu.memory_space<vmem>>) semaphore(%arg10 : memref<!tpu.dma_semaphore, #tpu.memory_space<semaphore_mem>>)
      %dma_start3A_23 = arith.constant 128 : i32
      %dma_start3A_24 = arith.constant 0 : i32
      %dma_start3A_25 = tpu.memref_slice %arg9[%dma_start3A_23, %dma_start3A_24] : memref<1664x32xf32, #tpu.memory_space<vmem>> -> memref<128x32xf32, #tpu.memory_space<vmem>>
      %dma_start3A_26 = arith.constant 128 : i32
      %dma_start3A_27 = tpu.memref_slice %arg8[%dma_start3A_26] : memref<1664xi32, #tpu.memory_space<vmem>> -> memref<128xi32, #tpu.memory_space<vmem>>
      %dma_start3A_28 = arith.constant 0 : i32
      %dma_start3A_29 = arith.constant 0 : i32
      %dma_start3A_30 = tpu.memref_slice %arg4[%dma_start3A_28, %dma_start3A_29] : memref<2600000x32xf32, #tpu.memory_space<hbm>> -> memref<2600000x32xf32, #tpu.memory_space<hbm>>
      tpu.enqueue_indirect_dma source(%dma_start3A_30 : memref<2600000x32xf32, #tpu.memory_space<hbm>>) target(%dma_start3A_25 : memref<128x32xf32, #tpu.memory_space<vmem>>) offsets(%dma_start3A_27 : memref<128xi32, #tpu.memory_space<vmem>>) semaphore(%arg10 : memref<!tpu.dma_semaphore, #tpu.memory_space<semaphore_mem>>)
      %dma_start3A_31 = arith.constant 256 : i32
      %dma_start3A_32 = arith.constant 0 : i32
      %dma_start3A_33 = tpu.memref_slice %arg9[%dma_start3A_31, %dma_start3A_32] : memref<1664x32xf32, #tpu.memory_space<vmem>> -> memref<128x32xf32, #tpu.memory_space<vmem>>
      %dma_start3A_34 = arith.constant 256 : i32
      %dma_start3A_35 = tpu.memref_slice %arg8[%dma_start3A_34] : memref<1664xi32, #tpu.memory_space<vmem>> -> memref<128xi32, #tpu.memory_space<vmem>>
      %dma_start3A_36 = arith.constant 0 : i32
      %dma_start3A_37 = arith.constant 0 : i32
      %dma_start3A_38 = tpu.memref_slice %arg4[%dma_start3A_36, %dma_start3A_37] : memref<2600000x32xf32, #tpu.memory_space<hbm>> -> memref<2600000x32xf32, #tpu.memory_space<hbm>>
      tpu.enqueue_indirect_dma source(%dma_start3A_38 : memref<2600000x32xf32, #tpu.memory_space<hbm>>) target(%dma_start3A_33 : memref<128x32xf32, #tpu.memory_space<vmem>>) offsets(%dma_start3A_35 : memref<128xi32, #tpu.memory_space<vmem>>) semaphore(%arg10 : memref<!tpu.dma_semaphore, #tpu.memory_space<semaphore_mem>>)
      %dma_start3A_39 = arith.constant 384 : i32
      %dma_start3A_40 = arith.constant 0 : i32
      %dma_start3A_41 = tpu.memref_slice %arg9[%dma_start3A_39, %dma_start3A_40] : memref<1664x32xf32, #tpu.memory_space<vmem>> -> memref<128x32xf32, #tpu.memory_space<vmem>>
      %dma_start3A_42 = arith.constant 384 : i32
      %dma_start3A_43 = tpu.memref_slice %arg8[%dma_start3A_42] : memref<1664xi32, #tpu.memory_space<vmem>> -> memref<128xi32, #tpu.memory_space<vmem>>
      %dma_start3A_44 = arith.constant 0 : i32
      %dma_start3A_45 = arith.constant 0 : i32
      %dma_start3A_46 = tpu.memref_slice %arg4[%dma_start3A_44, %dma_start3A_45] : memref<2600000x32xf32, #tpu.memory_space<hbm>> -> memref<2600000x32xf32, #tpu.memory_space<hbm>>
      tpu.enqueue_indirect_dma source(%dma_start3A_46 : memref<2600000x32xf32, #tpu.memory_space<hbm>>) target(%dma_start3A_41 : memref<128x32xf32, #tpu.memory_space<vmem>>) offsets(%dma_start3A_43 : memref<128xi32, #tpu.memory_space<vmem>>) semaphore(%arg10 : memref<!tpu.dma_semaphore, #tpu.memory_space<semaphore_mem>>)
      %dma_start3A_47 = arith.constant 512 : i32
      %dma_start3A_48 = arith.constant 0 : i32
      %dma_start3A_49 = tpu.memref_slice %arg9[%dma_start3A_47, %dma_start3A_48] : memref<1664x32xf32, #tpu.memory_space<vmem>> -> memref<128x32xf32, #tpu.memory_space<vmem>>
      %dma_start3A_50 = arith.constant 512 : i32
      %dma_start3A_51 = tpu.memref_slice %arg8[%dma_start3A_50] : memref<1664xi32, #tpu.memory_space<vmem>> -> memref<128xi32, #tpu.memory_space<vmem>>
      %dma_start3A_52 = arith.constant 0 : i32
      %dma_start3A_53 = arith.constant 0 : i32
      %dma_start3A_54 = tpu.memref_slice %arg4[%dma_start3A_52, %dma_start3A_53] : memref<2600000x32xf32, #tpu.memory_space<hbm>> -> memref<2600000x32xf32, #tpu.memory_space<hbm>>
      tpu.enqueue_indirect_dma source(%dma_start3A_54 : memref<2600000x32xf32, #tpu.memory_space<hbm>>) target(%dma_start3A_49 : memref<128x32xf32, #tpu.memory_space<vmem>>) offsets(%dma_start3A_51 : memref<128xi32, #tpu.memory_space<vmem>>) semaphore(%arg10 : memref<!tpu.dma_semaphore, #tpu.memory_space<semaphore_mem>>)
      %dma_start3A_55 = arith.constant 640 : i32
      %dma_start3A_56 = arith.constant 0 : i32
      %dma_start3A_57 = tpu.memref_slice %arg9[%dma_start3A_55, %dma_start3A_56] : memref<1664x32xf32, #tpu.memory_space<vmem>> -> memref<128x32xf32, #tpu.memory_space<vmem>>
      %dma_start3A_58 = arith.constant 640 : i32
      %dma_start3A_59 = tpu.memref_slice %arg8[%dma_start3A_58] : memref<1664xi32, #tpu.memory_space<vmem>> -> memref<128xi32, #tpu.memory_space<vmem>>
      %dma_start3A_60 = arith.constant 0 : i32
      %dma_start3A_61 = arith.constant 0 : i32
      %dma_start3A_62 = tpu.memref_slice %arg4[%dma_start3A_60, %dma_start3A_61] : memref<2600000x32xf32, #tpu.memory_space<hbm>> -> memref<2600000x32xf32, #tpu.memory_space<hbm>>
      tpu.enqueue_indirect_dma source(%dma_start3A_62 : memref<2600000x32xf32, #tpu.memory_space<hbm>>) target(%dma_start3A_57 : memref<128x32xf32, #tpu.memory_space<vmem>>) offsets(%dma_start3A_59 : memref<128xi32, #tpu.memory_space<vmem>>) semaphore(%arg10 : memref<!tpu.dma_semaphore, #tpu.memory_space<semaphore_mem>>)
      %dma_start3A_63 = arith.constant 768 : i32
      %dma_start3A_64 = arith.constant 0 : i32
      %dma_start3A_65 = tpu.memref_slice %arg9[%dma_start3A_63, %dma_start3A_64] : memref<1664x32xf32, #tpu.memory_space<vmem>> -> memref<128x32xf32, #tpu.memory_space<vmem>>
      %dma_start3A_66 = arith.constant 768 : i32
      %dma_start3A_67 = tpu.memref_slice %arg8[%dma_start3A_66] : memref<1664xi32, #tpu.memory_space<vmem>> -> memref<128xi32, #tpu.memory_space<vmem>>
      %dma_start3A_68 = arith.constant 0 : i32
      %dma_start3A_69 = arith.constant 0 : i32
      %dma_start3A_70 = tpu.memref_slice %arg4[%dma_start3A_68, %dma_start3A_69] : memref<2600000x32xf32, #tpu.memory_space<hbm>> -> memref<2600000x32xf32, #tpu.memory_space<hbm>>
      tpu.enqueue_indirect_dma source(%dma_start3A_70 : memref<2600000x32xf32, #tpu.memory_space<hbm>>) target(%dma_start3A_65 : memref<128x32xf32, #tpu.memory_space<vmem>>) offsets(%dma_start3A_67 : memref<128xi32, #tpu.memory_space<vmem>>) semaphore(%arg10 : memref<!tpu.dma_semaphore, #tpu.memory_space<semaphore_mem>>)
      %dma_start3A_71 = arith.constant 896 : i32
      %dma_start3A_72 = arith.constant 0 : i32
      %dma_start3A_73 = tpu.memref_slice %arg9[%dma_start3A_71, %dma_start3A_72] : memref<1664x32xf32, #tpu.memory_space<vmem>> -> memref<128x32xf32, #tpu.memory_space<vmem>>
      %dma_start3A_74 = arith.constant 896 : i32
      %dma_start3A_75 = tpu.memref_slice %arg8[%dma_start3A_74] : memref<1664xi32, #tpu.memory_space<vmem>> -> memref<128xi32, #tpu.memory_space<vmem>>
      %dma_start3A_76 = arith.constant 0 : i32
      %dma_start3A_77 = arith.constant 0 : i32
      %dma_start3A_78 = tpu.memref_slice %arg4[%dma_start3A_76, %dma_start3A_77] : memref<2600000x32xf32, #tpu.memory_space<hbm>> -> memref<2600000x32xf32, #tpu.memory_space<hbm>>
      tpu.enqueue_indirect_dma source(%dma_start3A_78 : memref<2600000x32xf32, #tpu.memory_space<hbm>>) target(%dma_start3A_73 : memref<128x32xf32, #tpu.memory_space<vmem>>) offsets(%dma_start3A_75 : memref<128xi32, #tpu.memory_space<vmem>>) semaphore(%arg10 : memref<!tpu.dma_semaphore, #tpu.memory_space<semaphore_mem>>)
      %dma_start3A_79 = arith.constant 1024 : i32
      %dma_start3A_80 = arith.constant 0 : i32
      %dma_start3A_81 = tpu.memref_slice %arg9[%dma_start3A_79, %dma_start3A_80] : memref<1664x32xf32, #tpu.memory_space<vmem>> -> memref<128x32xf32, #tpu.memory_space<vmem>>
      %dma_start3A_82 = arith.constant 1024 : i32
      %dma_start3A_83 = tpu.memref_slice %arg8[%dma_start3A_82] : memref<1664xi32, #tpu.memory_space<vmem>> -> memref<128xi32, #tpu.memory_space<vmem>>
      %dma_start3A_84 = arith.constant 0 : i32
      %dma_start3A_85 = arith.constant 0 : i32
      %dma_start3A_86 = tpu.memref_slice %arg4[%dma_start3A_84, %dma_start3A_85] : memref<2600000x32xf32, #tpu.memory_space<hbm>> -> memref<2600000x32xf32, #tpu.memory_space<hbm>>
      tpu.enqueue_indirect_dma source(%dma_start3A_86 : memref<2600000x32xf32, #tpu.memory_space<hbm>>) target(%dma_start3A_81 : memref<128x32xf32, #tpu.memory_space<vmem>>) offsets(%dma_start3A_83 : memref<128xi32, #tpu.memory_space<vmem>>) semaphore(%arg10 : memref<!tpu.dma_semaphore, #tpu.memory_space<semaphore_mem>>)
      %dma_start3A_87 = arith.constant 1152 : i32
      %dma_start3A_88 = arith.constant 0 : i32
      %dma_start3A_89 = tpu.memref_slice %arg9[%dma_start3A_87, %dma_start3A_88] : memref<1664x32xf32, #tpu.memory_space<vmem>> -> memref<128x32xf32, #tpu.memory_space<vmem>>
      %dma_start3A_90 = arith.constant 1152 : i32
      %dma_start3A_91 = tpu.memref_slice %arg8[%dma_start3A_90] : memref<1664xi32, #tpu.memory_space<vmem>> -> memref<128xi32, #tpu.memory_space<vmem>>
      %dma_start3A_92 = arith.constant 0 : i32
      %dma_start3A_93 = arith.constant 0 : i32
      %dma_start3A_94 = tpu.memref_slice %arg4[%dma_start3A_92, %dma_start3A_93] : memref<2600000x32xf32, #tpu.memory_space<hbm>> -> memref<2600000x32xf32, #tpu.memory_space<hbm>>
      tpu.enqueue_indirect_dma source(%dma_start3A_94 : memref<2600000x32xf32, #tpu.memory_space<hbm>>) target(%dma_start3A_89 : memref<128x32xf32, #tpu.memory_space<vmem>>) offsets(%dma_start3A_91 : memref<128xi32, #tpu.memory_space<vmem>>) semaphore(%arg10 : memref<!tpu.dma_semaphore, #tpu.memory_space<semaphore_mem>>)
      %dma_start3A_95 = arith.constant 1280 : i32
      %dma_start3A_96 = arith.constant 0 : i32
      %dma_start3A_97 = tpu.memref_slice %arg9[%dma_start3A_95, %dma_start3A_96] : memref<1664x32xf32, #tpu.memory_space<vmem>> -> memref<128x32xf32, #tpu.memory_space<vmem>>
      %dma_start3A_98 = arith.constant 1280 : i32
      %dma_start3A_99 = tpu.memref_slice %arg8[%dma_start3A_98] : memref<1664xi32, #tpu.memory_space<vmem>> -> memref<128xi32, #tpu.memory_space<vmem>>
      %dma_start3A_100 = arith.constant 0 : i32
      %dma_start3A_101 = arith.constant 0 : i32
      %dma_start3A_102 = tpu.memref_slice %arg4[%dma_start3A_100, %dma_start3A_101] : memref<2600000x32xf32, #tpu.memory_space<hbm>> -> memref<2600000x32xf32, #tpu.memory_space<hbm>>
      tpu.enqueue_indirect_dma source(%dma_start3A_102 : memref<2600000x32xf32, #tpu.memory_space<hbm>>) target(%dma_start3A_97 : memref<128x32xf32, #tpu.memory_space<vmem>>) offsets(%dma_start3A_99 : memref<128xi32, #tpu.memory_space<vmem>>) semaphore(%arg10 : memref<!tpu.dma_semaphore, #tpu.memory_space<semaphore_mem>>)
      %dma_start3A_103 = arith.constant 1408 : i32
      %dma_start3A_104 = arith.constant 0 : i32
      %dma_start3A_105 = tpu.memref_slice %arg9[%dma_start3A_103, %dma_start3A_104] : memref<1664x32xf32, #tpu.memory_space<vmem>> -> memref<128x32xf32, #tpu.memory_space<vmem>>
      %dma_start3A_106 = arith.constant 1408 : i32
      %dma_start3A_107 = tpu.memref_slice %arg8[%dma_start3A_106] : memref<1664xi32, #tpu.memory_space<vmem>> -> memref<128xi32, #tpu.memory_space<vmem>>
      %dma_start3A_108 = arith.constant 0 : i32
      %dma_start3A_109 = arith.constant 0 : i32
      %dma_start3A_110 = tpu.memref_slice %arg4[%dma_start3A_108, %dma_start3A_109] : memref<2600000x32xf32, #tpu.memory_space<hbm>> -> memref<2600000x32xf32, #tpu.memory_space<hbm>>
      tpu.enqueue_indirect_dma source(%dma_start3A_110 : memref<2600000x32xf32, #tpu.memory_space<hbm>>) target(%dma_start3A_105 : memref<128x32xf32, #tpu.memory_space<vmem>>) offsets(%dma_start3A_107 : memref<128xi32, #tpu.memory_space<vmem>>) semaphore(%arg10 : memref<!tpu.dma_semaphore, #tpu.memory_space<semaphore_mem>>)
      %dma_start3A_111 = arith.constant 1536 : i32
      %dma_start3A_112 = arith.constant 0 : i32
      %dma_start3A_113 = tpu.memref_slice %arg9[%dma_start3A_111, %dma_start3A_112] : memref<1664x32xf32, #tpu.memory_space<vmem>> -> memref<128x32xf32, #tpu.memory_space<vmem>>
      %dma_start3A_114 = arith.constant 1536 : i32
      %dma_start3A_115 = tpu.memref_slice %arg8[%dma_start3A_114] : memref<1664xi32, #tpu.memory_space<vmem>> -> memref<128xi32, #tpu.memory_space<vmem>>
      %dma_start3A_116 = arith.constant 0 : i32
      %dma_start3A_117 = arith.constant 0 : i32
      %dma_start3A_118 = tpu.memref_slice %arg4[%dma_start3A_116, %dma_start3A_117] : memref<2600000x32xf32, #tpu.memory_space<hbm>> -> memref<2600000x32xf32, #tpu.memory_space<hbm>>
      tpu.enqueue_indirect_dma source(%dma_start3A_118 : memref<2600000x32xf32, #tpu.memory_space<hbm>>) target(%dma_start3A_113 : memref<128x32xf32, #tpu.memory_space<vmem>>) offsets(%dma_start3A_115 : memref<128xi32, #tpu.memory_space<vmem>>) semaphore(%arg10 : memref<!tpu.dma_semaphore, #tpu.memory_space<semaphore_mem>>)
      %dma_wait3A = arith.constant 0 : i32
      %dma_wait3A_119 = arith.constant 0 : i32
      %dma_wait3A_120 = tpu.memref_slice %arg9[%dma_wait3A, %dma_wait3A_119] : memref<1664x32xf32, #tpu.memory_space<vmem>> -> memref<128x32xf32, #tpu.memory_space<vmem>>
      %dma_wait3A_121 = arith.constant 0 : i32
      %dma_wait3A_122 = tpu.memref_slice %arg8[%dma_wait3A_121] : memref<1664xi32, #tpu.memory_space<vmem>> -> memref<128xi32, #tpu.memory_space<vmem>>
      %dma_wait3A_123 = arith.constant 0 : i32
      %dma_wait3A_124 = arith.constant 0 : i32
      %dma_wait3A_125 = tpu.memref_slice %arg4[%dma_wait3A_123, %dma_wait3A_124] : memref<2600000x32xf32, #tpu.memory_space<hbm>> -> memref<2600000x32xf32, #tpu.memory_space<hbm>>
      tpu.wait_indirect_dma semaphore(%arg10 : memref<!tpu.dma_semaphore, #tpu.memory_space<semaphore_mem>>) src(%dma_wait3A_125 : memref<2600000x32xf32, #tpu.memory_space<hbm>>) dst(%dma_wait3A_120 : memref<128x32xf32, #tpu.memory_space<vmem>>)
      %dma_wait3A_126 = arith.constant 128 : i32
      %dma_wait3A_127 = arith.constant 0 : i32
      %dma_wait3A_128 = tpu.memref_slice %arg9[%dma_wait3A_126, %dma_wait3A_127] : memref<1664x32xf32, #tpu.memory_space<vmem>> -> memref<128x32xf32, #tpu.memory_space<vmem>>
      %dma_wait3A_129 = arith.constant 128 : i32
      %dma_wait3A_130 = tpu.memref_slice %arg8[%dma_wait3A_129] : memref<1664xi32, #tpu.memory_space<vmem>> -> memref<128xi32, #tpu.memory_space<vmem>>
      %dma_wait3A_131 = arith.constant 0 : i32
      %dma_wait3A_132 = arith.constant 0 : i32
      %dma_wait3A_133 = tpu.memref_slice %arg4[%dma_wait3A_131, %dma_wait3A_132] : memref<2600000x32xf32, #tpu.memory_space<hbm>> -> memref<2600000x32xf32, #tpu.memory_space<hbm>>
      tpu.wait_indirect_dma semaphore(%arg10 : memref<!tpu.dma_semaphore, #tpu.memory_space<semaphore_mem>>) src(%dma_wait3A_133 : memref<2600000x32xf32, #tpu.memory_space<hbm>>) dst(%dma_wait3A_128 : memref<128x32xf32, #tpu.memory_space<vmem>>)
      %dma_wait3A_134 = arith.constant 256 : i32
      %dma_wait3A_135 = arith.constant 0 : i32
      %dma_wait3A_136 = tpu.memref_slice %arg9[%dma_wait3A_134, %dma_wait3A_135] : memref<1664x32xf32, #tpu.memory_space<vmem>> -> memref<128x32xf32, #tpu.memory_space<vmem>>
      %dma_wait3A_137 = arith.constant 256 : i32
      %dma_wait3A_138 = tpu.memref_slice %arg8[%dma_wait3A_137] : memref<1664xi32, #tpu.memory_space<vmem>> -> memref<128xi32, #tpu.memory_space<vmem>>
      %dma_wait3A_139 = arith.constant 0 : i32
      %dma_wait3A_140 = arith.constant 0 : i32
      %dma_wait3A_141 = tpu.memref_slice %arg4[%dma_wait3A_139, %dma_wait3A_140] : memref<2600000x32xf32, #tpu.memory_space<hbm>> -> memref<2600000x32xf32, #tpu.memory_space<hbm>>
      tpu.wait_indirect_dma semaphore(%arg10 : memref<!tpu.dma_semaphore, #tpu.memory_space<semaphore_mem>>) src(%dma_wait3A_141 : memref<2600000x32xf32, #tpu.memory_space<hbm>>) dst(%dma_wait3A_136 : memref<128x32xf32, #tpu.memory_space<vmem>>)
      %dma_wait3A_142 = arith.constant 384 : i32
      %dma_wait3A_143 = arith.constant 0 : i32
      %dma_wait3A_144 = tpu.memref_slice %arg9[%dma_wait3A_142, %dma_wait3A_143] : memref<1664x32xf32, #tpu.memory_space<vmem>> -> memref<128x32xf32, #tpu.memory_space<vmem>>
      %dma_wait3A_145 = arith.constant 384 : i32
      %dma_wait3A_146 = tpu.memref_slice %arg8[%dma_wait3A_145] : memref<1664xi32, #tpu.memory_space<vmem>> -> memref<128xi32, #tpu.memory_space<vmem>>
      %dma_wait3A_147 = arith.constant 0 : i32
      %dma_wait3A_148 = arith.constant 0 : i32
      %dma_wait3A_149 = tpu.memref_slice %arg4[%dma_wait3A_147, %dma_wait3A_148] : memref<2600000x32xf32, #tpu.memory_space<hbm>> -> memref<2600000x32xf32, #tpu.memory_space<hbm>>
      tpu.wait_indirect_dma semaphore(%arg10 : memref<!tpu.dma_semaphore, #tpu.memory_space<semaphore_mem>>) src(%dma_wait3A_149 : memref<2600000x32xf32, #tpu.memory_space<hbm>>) dst(%dma_wait3A_144 : memref<128x32xf32, #tpu.memory_space<vmem>>)
      %dma_wait3A_150 = arith.constant 512 : i32
      %dma_wait3A_151 = arith.constant 0 : i32
      %dma_wait3A_152 = tpu.memref_slice %arg9[%dma_wait3A_150, %dma_wait3A_151] : memref<1664x32xf32, #tpu.memory_space<vmem>> -> memref<128x32xf32, #tpu.memory_space<vmem>>
      %dma_wait3A_153 = arith.constant 512 : i32
      %dma_wait3A_154 = tpu.memref_slice %arg8[%dma_wait3A_153] : memref<1664xi32, #tpu.memory_space<vmem>> -> memref<128xi32, #tpu.memory_space<vmem>>
      %dma_wait3A_155 = arith.constant 0 : i32
      %dma_wait3A_156 = arith.constant 0 : i32
      %dma_wait3A_157 = tpu.memref_slice %arg4[%dma_wait3A_155, %dma_wait3A_156] : memref<2600000x32xf32, #tpu.memory_space<hbm>> -> memref<2600000x32xf32, #tpu.memory_space<hbm>>
      tpu.wait_indirect_dma semaphore(%arg10 : memref<!tpu.dma_semaphore, #tpu.memory_space<semaphore_mem>>) src(%dma_wait3A_157 : memref<2600000x32xf32, #tpu.memory_space<hbm>>) dst(%dma_wait3A_152 : memref<128x32xf32, #tpu.memory_space<vmem>>)
      %dma_wait3A_158 = arith.constant 640 : i32
      %dma_wait3A_159 = arith.constant 0 : i32
      %dma_wait3A_160 = tpu.memref_slice %arg9[%dma_wait3A_158, %dma_wait3A_159] : memref<1664x32xf32, #tpu.memory_space<vmem>> -> memref<128x32xf32, #tpu.memory_space<vmem>>
      %dma_wait3A_161 = arith.constant 640 : i32
      %dma_wait3A_162 = tpu.memref_slice %arg8[%dma_wait3A_161] : memref<1664xi32, #tpu.memory_space<vmem>> -> memref<128xi32, #tpu.memory_space<vmem>>
      %dma_wait3A_163 = arith.constant 0 : i32
      %dma_wait3A_164 = arith.constant 0 : i32
      %dma_wait3A_165 = tpu.memref_slice %arg4[%dma_wait3A_163, %dma_wait3A_164] : memref<2600000x32xf32, #tpu.memory_space<hbm>> -> memref<2600000x32xf32, #tpu.memory_space<hbm>>
      tpu.wait_indirect_dma semaphore(%arg10 : memref<!tpu.dma_semaphore, #tpu.memory_space<semaphore_mem>>) src(%dma_wait3A_165 : memref<2600000x32xf32, #tpu.memory_space<hbm>>) dst(%dma_wait3A_160 : memref<128x32xf32, #tpu.memory_space<vmem>>)
      %dma_wait3A_166 = arith.constant 768 : i32
      %dma_wait3A_167 = arith.constant 0 : i32
      %dma_wait3A_168 = tpu.memref_slice %arg9[%dma_wait3A_166, %dma_wait3A_167] : memref<1664x32xf32, #tpu.memory_space<vmem>> -> memref<128x32xf32, #tpu.memory_space<vmem>>
      %dma_wait3A_169 = arith.constant 768 : i32
      %dma_wait3A_170 = tpu.memref_slice %arg8[%dma_wait3A_169] : memref<1664xi32, #tpu.memory_space<vmem>> -> memref<128xi32, #tpu.memory_space<vmem>>
      %dma_wait3A_171 = arith.constant 0 : i32
      %dma_wait3A_172 = arith.constant 0 : i32
      %dma_wait3A_173 = tpu.memref_slice %arg4[%dma_wait3A_171, %dma_wait3A_172] : memref<2600000x32xf32, #tpu.memory_space<hbm>> -> memref<2600000x32xf32, #tpu.memory_space<hbm>>
      tpu.wait_indirect_dma semaphore(%arg10 : memref<!tpu.dma_semaphore, #tpu.memory_space<semaphore_mem>>) src(%dma_wait3A_173 : memref<2600000x32xf32, #tpu.memory_space<hbm>>) dst(%dma_wait3A_168 : memref<128x32xf32, #tpu.memory_space<vmem>>)
      %dma_wait3A_174 = arith.constant 896 : i32
      %dma_wait3A_175 = arith.constant 0 : i32
      %dma_wait3A_176 = tpu.memref_slice %arg9[%dma_wait3A_174, %dma_wait3A_175] : memref<1664x32xf32, #tpu.memory_space<vmem>> -> memref<128x32xf32, #tpu.memory_space<vmem>>
      %dma_wait3A_177 = arith.constant 896 : i32
      %dma_wait3A_178 = tpu.memref_slice %arg8[%dma_wait3A_177] : memref<1664xi32, #tpu.memory_space<vmem>> -> memref<128xi32, #tpu.memory_space<vmem>>
      %dma_wait3A_179 = arith.constant 0 : i32
      %dma_wait3A_180 = arith.constant 0 : i32
      %dma_wait3A_181 = tpu.memref_slice %arg4[%dma_wait3A_179, %dma_wait3A_180] : memref<2600000x32xf32, #tpu.memory_space<hbm>> -> memref<2600000x32xf32, #tpu.memory_space<hbm>>
      tpu.wait_indirect_dma semaphore(%arg10 : memref<!tpu.dma_semaphore, #tpu.memory_space<semaphore_mem>>) src(%dma_wait3A_181 : memref<2600000x32xf32, #tpu.memory_space<hbm>>) dst(%dma_wait3A_176 : memref<128x32xf32, #tpu.memory_space<vmem>>)
      %dma_wait3A_182 = arith.constant 1024 : i32
      %dma_wait3A_183 = arith.constant 0 : i32
      %dma_wait3A_184 = tpu.memref_slice %arg9[%dma_wait3A_182, %dma_wait3A_183] : memref<1664x32xf32, #tpu.memory_space<vmem>> -> memref<128x32xf32, #tpu.memory_space<vmem>>
      %dma_wait3A_185 = arith.constant 1024 : i32
      %dma_wait3A_186 = tpu.memref_slice %arg8[%dma_wait3A_185] : memref<1664xi32, #tpu.memory_space<vmem>> -> memref<128xi32, #tpu.memory_space<vmem>>
      %dma_wait3A_187 = arith.constant 0 : i32
      %dma_wait3A_188 = arith.constant 0 : i32
      %dma_wait3A_189 = tpu.memref_slice %arg4[%dma_wait3A_187, %dma_wait3A_188] : memref<2600000x32xf32, #tpu.memory_space<hbm>> -> memref<2600000x32xf32, #tpu.memory_space<hbm>>
      tpu.wait_indirect_dma semaphore(%arg10 : memref<!tpu.dma_semaphore, #tpu.memory_space<semaphore_mem>>) src(%dma_wait3A_189 : memref<2600000x32xf32, #tpu.memory_space<hbm>>) dst(%dma_wait3A_184 : memref<128x32xf32, #tpu.memory_space<vmem>>)
      %dma_wait3A_190 = arith.constant 1152 : i32
      %dma_wait3A_191 = arith.constant 0 : i32
      %dma_wait3A_192 = tpu.memref_slice %arg9[%dma_wait3A_190, %dma_wait3A_191] : memref<1664x32xf32, #tpu.memory_space<vmem>> -> memref<128x32xf32, #tpu.memory_space<vmem>>
      %dma_wait3A_193 = arith.constant 1152 : i32
      %dma_wait3A_194 = tpu.memref_slice %arg8[%dma_wait3A_193] : memref<1664xi32, #tpu.memory_space<vmem>> -> memref<128xi32, #tpu.memory_space<vmem>>
      %dma_wait3A_195 = arith.constant 0 : i32
      %dma_wait3A_196 = arith.constant 0 : i32
      %dma_wait3A_197 = tpu.memref_slice %arg4[%dma_wait3A_195, %dma_wait3A_196] : memref<2600000x32xf32, #tpu.memory_space<hbm>> -> memref<2600000x32xf32, #tpu.memory_space<hbm>>
      tpu.wait_indirect_dma semaphore(%arg10 : memref<!tpu.dma_semaphore, #tpu.memory_space<semaphore_mem>>) src(%dma_wait3A_197 : memref<2600000x32xf32, #tpu.memory_space<hbm>>) dst(%dma_wait3A_192 : memref<128x32xf32, #tpu.memory_space<vmem>>)
      %dma_wait3A_198 = arith.constant 1280 : i32
      %dma_wait3A_199 = arith.constant 0 : i32
      %dma_wait3A_200 = tpu.memref_slice %arg9[%dma_wait3A_198, %dma_wait3A_199] : memref<1664x32xf32, #tpu.memory_space<vmem>> -> memref<128x32xf32, #tpu.memory_space<vmem>>
      %dma_wait3A_201 = arith.constant 1280 : i32
      %dma_wait3A_202 = tpu.memref_slice %arg8[%dma_wait3A_201] : memref<1664xi32, #tpu.memory_space<vmem>> -> memref<128xi32, #tpu.memory_space<vmem>>
      %dma_wait3A_203 = arith.constant 0 : i32
      %dma_wait3A_204 = arith.constant 0 : i32
      %dma_wait3A_205 = tpu.memref_slice %arg4[%dma_wait3A_203, %dma_wait3A_204] : memref<2600000x32xf32, #tpu.memory_space<hbm>> -> memref<2600000x32xf32, #tpu.memory_space<hbm>>
      tpu.wait_indirect_dma semaphore(%arg10 : memref<!tpu.dma_semaphore, #tpu.memory_space<semaphore_mem>>) src(%dma_wait3A_205 : memref<2600000x32xf32, #tpu.memory_space<hbm>>) dst(%dma_wait3A_200 : memref<128x32xf32, #tpu.memory_space<vmem>>)
      %dma_wait3A_206 = arith.constant 1408 : i32
      %dma_wait3A_207 = arith.constant 0 : i32
      %dma_wait3A_208 = tpu.memref_slice %arg9[%dma_wait3A_206, %dma_wait3A_207] : memref<1664x32xf32, #tpu.memory_space<vmem>> -> memref<128x32xf32, #tpu.memory_space<vmem>>
      %dma_wait3A_209 = arith.constant 1408 : i32
      %dma_wait3A_210 = tpu.memref_slice %arg8[%dma_wait3A_209] : memref<1664xi32, #tpu.memory_space<vmem>> -> memref<128xi32, #tpu.memory_space<vmem>>
      %dma_wait3A_211 = arith.constant 0 : i32
      %dma_wait3A_212 = arith.constant 0 : i32
      %dma_wait3A_213 = tpu.memref_slice %arg4[%dma_wait3A_211, %dma_wait3A_212] : memref<2600000x32xf32, #tpu.memory_space<hbm>> -> memref<2600000x32xf32, #tpu.memory_space<hbm>>
      tpu.wait_indirect_dma semaphore(%arg10 : memref<!tpu.dma_semaphore, #tpu.memory_space<semaphore_mem>>) src(%dma_wait3A_213 : memref<2600000x32xf32, #tpu.memory_space<hbm>>) dst(%dma_wait3A_208 : memref<128x32xf32, #tpu.memory_space<vmem>>)
      %dma_wait3A_214 = arith.constant 1536 : i32
      %dma_wait3A_215 = arith.constant 0 : i32
      %dma_wait3A_216 = tpu.memref_slice %arg9[%dma_wait3A_214, %dma_wait3A_215] : memref<1664x32xf32, #tpu.memory_space<vmem>> -> memref<128x32xf32, #tpu.memory_space<vmem>>
      %dma_wait3A_217 = arith.constant 1536 : i32
      %dma_wait3A_218 = tpu.memref_slice %arg8[%dma_wait3A_217] : memref<1664xi32, #tpu.memory_space<vmem>> -> memref<128xi32, #tpu.memory_space<vmem>>
      %dma_wait3A_219 = arith.constant 0 : i32
      %dma_wait3A_220 = arith.constant 0 : i32
      %dma_wait3A_221 = tpu.memref_slice %arg4[%dma_wait3A_219, %dma_wait3A_220] : memref<2600000x32xf32, #tpu.memory_space<hbm>> -> memref<2600000x32xf32, #tpu.memory_space<hbm>>
      tpu.wait_indirect_dma semaphore(%arg10 : memref<!tpu.dma_semaphore, #tpu.memory_space<semaphore_mem>>) src(%dma_wait3A_221 : memref<2600000x32xf32, #tpu.memory_space<hbm>>) dst(%dma_wait3A_216 : memref<128x32xf32, #tpu.memory_space<vmem>>)
      "tpu.region"() ({
        %run_scoped3A = tpu.sem_alloc : memref<!tpu.dma_semaphore, #tpu.memory_space<semaphore_mem>>
        %dma_start3A_222 = arith.constant 0 : i32
        %dma_start3A_223 = arith.constant 0 : i32
        %dma_start3A_224 = tpu.memref_slice %arg5[%add3A_9, %dma_start3A_222, %dma_start3A_223] : memref<256x1664x32xf32, #tpu.memory_space<hbm>> -> memref<1x1664x32xf32, #tpu.memory_space<hbm>>
        %dma_start3A_225 = tpu.memref_squeeze %dma_start3A_224 : memref<1x1664x32xf32, #tpu.memory_space<hbm>> -> memref<1664x32xf32, #tpu.memory_space<hbm>>
        %dma_start3A_226 = arith.constant 0 : i32
        %dma_start3A_227 = arith.constant 0 : i32
        %dma_start3A_228 = tpu.memref_slice %arg5[%add3A_9, %dma_start3A_226, %dma_start3A_227] : memref<256x1664x32xf32, #tpu.memory_space<hbm>> -> memref<1x1664x32xf32, #tpu.memory_space<hbm>>
        %dma_start3A_229 = tpu.memref_squeeze %dma_start3A_228 : memref<1x1664x32xf32, #tpu.memory_space<hbm>> -> memref<1664x32xf32, #tpu.memory_space<hbm>>
        tpu.enqueue_dma source(%arg9 : memref<1664x32xf32, #tpu.memory_space<vmem>>) target(%dma_start3A_229 : memref<1664x32xf32, #tpu.memory_space<hbm>>) target_semaphore(%run_scoped3A : memref<!tpu.dma_semaphore, #tpu.memory_space<semaphore_mem>>)
        %dma_wait3A_230 = arith.constant 0 : i32
        %dma_wait3A_231 = arith.constant 0 : i32
        %dma_wait3A_232 = tpu.memref_slice %arg5[%add3A_9, %dma_wait3A_230, %dma_wait3A_231] : memref<256x1664x32xf32, #tpu.memory_space<hbm>> -> memref<1x1664x32xf32, #tpu.memory_space<hbm>>
        %dma_wait3A_233 = tpu.memref_squeeze %dma_wait3A_232 : memref<1x1664x32xf32, #tpu.memory_space<hbm>> -> memref<1664x32xf32, #tpu.memory_space<hbm>>
        %dma_wait3A_234 = arith.constant 0 : i32
        %dma_wait3A_235 = arith.constant 0 : i32
        %dma_wait3A_236 = tpu.memref_slice %arg5[%add3A_9, %dma_wait3A_234, %dma_wait3A_235] : memref<256x1664x32xf32, #tpu.memory_space<hbm>> -> memref<1x1664x32xf32, #tpu.memory_space<hbm>>
        %dma_wait3A_237 = tpu.memref_squeeze %dma_wait3A_236 : memref<1x1664x32xf32, #tpu.memory_space<hbm>> -> memref<1664x32xf32, #tpu.memory_space<hbm>>
        tpu.wait_dma2 semaphore(%run_scoped3A : memref<!tpu.dma_semaphore, #tpu.memory_space<semaphore_mem>>) src(%arg9 : memref<1664x32xf32, #tpu.memory_space<vmem>>) dst(%dma_wait3A_237 : memref<1664x32xf32, #tpu.memory_space<hbm>>)
        tpu.yield
      }) : () -> ()
    }
    %scan3A_5 = arith.constant 8 : i32
    return
  }
}

module attributes {stable_mosaic.version = 14 : i64} {
  func.func @body(%arg0: i32, %arg1: memref<1x32x100000xf32, #tpu.memory_space<vmem>>, %arg2: memref<25000x128xf32, #tpu.memory_space<vmem>>) attributes {dimension_semantics = [#tpu.dimension_semantics<arbitrary>], iteration_bounds = array<i64: 26>, scalar_prefetch = 0 : i64, scratch_operands = 0 : i64, tpu.core_type = #tpu.core_type<tc>, window_params = [{transform_indices = @transform_0, window_bounds = array<i64: 1, 32, 100000>}, {transform_indices = @transform_1, window_bounds = array<i64: 25000, 128>}]} {
    %get3A = arith.constant 0 : index
    %get3A_0 = arith.constant 0 : index
    %get3A_1 = arith.constant 0 : index
    %get3A_2 = vector.load %arg1[%get3A, %get3A_0, %get3A_1] : memref<1x32x100000xf32, #tpu.memory_space<vmem>>, vector<1x32x5000xf32>
    %get3A_3 = vector.shape_cast %get3A_2 : vector<1x32x5000xf32> to vector<32x5000xf32>
    %get3A_4 = arith.constant 0 : index
    %get3A_5 = arith.constant 0 : index
    %get3A_6 = arith.constant 25000 : index
    %get3A_7 = vector.load %arg1[%get3A_4, %get3A_5, %get3A_6] : memref<1x32x100000xf32, #tpu.memory_space<vmem>>, vector<1x32x5000xf32>
    %get3A_8 = vector.shape_cast %get3A_7 : vector<1x32x5000xf32> to vector<32x5000xf32>
    %get3A_9 = arith.constant 0 : index
    %get3A_10 = arith.constant 0 : index
    %get3A_11 = arith.constant 50000 : index
    %get3A_12 = vector.load %arg1[%get3A_9, %get3A_10, %get3A_11] : memref<1x32x100000xf32, #tpu.memory_space<vmem>>, vector<1x32x5000xf32>
    %get3A_13 = vector.shape_cast %get3A_12 : vector<1x32x5000xf32> to vector<32x5000xf32>
    %get3A_14 = arith.constant 0 : index
    %get3A_15 = arith.constant 0 : index
    %get3A_16 = arith.constant 75000 : index
    %get3A_17 = vector.load %arg1[%get3A_14, %get3A_15, %get3A_16] : memref<1x32x100000xf32, #tpu.memory_space<vmem>>, vector<1x32x5000xf32>
    %get3A_18 = vector.shape_cast %get3A_17 : vector<1x32x5000xf32> to vector<32x5000xf32>
    %concatenate3A = tpu.concatenate %get3A_3, %get3A_8, %get3A_13, %get3A_18 in 0 : vector<32x5000xf32>, vector<32x5000xf32>, vector<32x5000xf32>, vector<32x5000xf32> -> vector<128x5000xf32>
    %transpose3A = tpu.transpose %concatenate3A, [1, 0] : vector<128x5000xf32> -> vector<5000x128xf32>
    %swap3A = arith.constant 0 : index
    %swap3A_19 = arith.constant 0 : index
    %swap3A_20 = vector.load %arg2[%swap3A, %swap3A_19] : memref<25000x128xf32, #tpu.memory_space<vmem>>, vector<5000x128xf32>
    tpu.vector_store %arg2[%swap3A, %swap3A_19], %transpose3A {strides = array<i32>} : memref<25000x128xf32, #tpu.memory_space<vmem>>, vector<5000x128xf32>,
    %get3A_21 = arith.constant 0 : index
    %get3A_22 = arith.constant 0 : index
    %get3A_23 = arith.constant 5000 : index
    %get3A_24 = vector.load %arg1[%get3A_21, %get3A_22, %get3A_23] : memref<1x32x100000xf32, #tpu.memory_space<vmem>>, vector<1x32x5000xf32>
    %get3A_25 = vector.shape_cast %get3A_24 : vector<1x32x5000xf32> to vector<32x5000xf32>
    %get3A_26 = arith.constant 0 : index
    %get3A_27 = arith.constant 0 : index
    %get3A_28 = arith.constant 30000 : index
    %get3A_29 = vector.load %arg1[%get3A_26, %get3A_27, %get3A_28] : memref<1x32x100000xf32, #tpu.memory_space<vmem>>, vector<1x32x5000xf32>
    %get3A_30 = vector.shape_cast %get3A_29 : vector<1x32x5000xf32> to vector<32x5000xf32>
    %get3A_31 = arith.constant 0 : index
    %get3A_32 = arith.constant 0 : index
    %get3A_33 = arith.constant 55000 : index
    %get3A_34 = vector.load %arg1[%get3A_31, %get3A_32, %get3A_33] : memref<1x32x100000xf32, #tpu.memory_space<vmem>>, vector<1x32x5000xf32>
    %get3A_35 = vector.shape_cast %get3A_34 : vector<1x32x5000xf32> to vector<32x5000xf32>
    %get3A_36 = arith.constant 0 : index
    %get3A_37 = arith.constant 0 : index
    %get3A_38 = arith.constant 80000 : index
    %get3A_39 = vector.load %arg1[%get3A_36, %get3A_37, %get3A_38] : memref<1x32x100000xf32, #tpu.memory_space<vmem>>, vector<1x32x5000xf32>
    %get3A_40 = vector.shape_cast %get3A_39 : vector<1x32x5000xf32> to vector<32x5000xf32>
    %concatenate3A_41 = tpu.concatenate %get3A_25, %get3A_30, %get3A_35, %get3A_40 in 0 : vector<32x5000xf32>, vector<32x5000xf32>, vector<32x5000xf32>, vector<32x5000xf32> -> vector<128x5000xf32>
    %transpose3A_42 = tpu.transpose %concatenate3A_41, [1, 0] : vector<128x5000xf32> -> vector<5000x128xf32>
    %swap3A_43 = arith.constant 5000 : index
    %swap3A_44 = arith.constant 0 : index
    %swap3A_45 = vector.load %arg2[%swap3A_43, %swap3A_44] : memref<25000x128xf32, #tpu.memory_space<vmem>>, vector<5000x128xf32>
    tpu.vector_store %arg2[%swap3A_43, %swap3A_44], %transpose3A_42 {strides = array<i32>} : memref<25000x128xf32, #tpu.memory_space<vmem>>, vector<5000x128xf32>,
    %get3A_46 = arith.constant 0 : index
    %get3A_47 = arith.constant 0 : index
    %get3A_48 = arith.constant 10000 : index
    %get3A_49 = vector.load %arg1[%get3A_46, %get3A_47, %get3A_48] : memref<1x32x100000xf32, #tpu.memory_space<vmem>>, vector<1x32x5000xf32>
    %get3A_50 = vector.shape_cast %get3A_49 : vector<1x32x5000xf32> to vector<32x5000xf32>
    %get3A_51 = arith.constant 0 : index
    %get3A_52 = arith.constant 0 : index
    %get3A_53 = arith.constant 35000 : index
    %get3A_54 = vector.load %arg1[%get3A_51, %get3A_52, %get3A_53] : memref<1x32x100000xf32, #tpu.memory_space<vmem>>, vector<1x32x5000xf32>
    %get3A_55 = vector.shape_cast %get3A_54 : vector<1x32x5000xf32> to vector<32x5000xf32>
    %get3A_56 = arith.constant 0 : index
    %get3A_57 = arith.constant 0 : index
    %get3A_58 = arith.constant 60000 : index
    %get3A_59 = vector.load %arg1[%get3A_56, %get3A_57, %get3A_58] : memref<1x32x100000xf32, #tpu.memory_space<vmem>>, vector<1x32x5000xf32>
    %get3A_60 = vector.shape_cast %get3A_59 : vector<1x32x5000xf32> to vector<32x5000xf32>
    %get3A_61 = arith.constant 0 : index
    %get3A_62 = arith.constant 0 : index
    %get3A_63 = arith.constant 85000 : index
    %get3A_64 = vector.load %arg1[%get3A_61, %get3A_62, %get3A_63] : memref<1x32x100000xf32, #tpu.memory_space<vmem>>, vector<1x32x5000xf32>
    %get3A_65 = vector.shape_cast %get3A_64 : vector<1x32x5000xf32> to vector<32x5000xf32>
    %concatenate3A_66 = tpu.concatenate %get3A_50, %get3A_55, %get3A_60, %get3A_65 in 0 : vector<32x5000xf32>, vector<32x5000xf32>, vector<32x5000xf32>, vector<32x5000xf32> -> vector<128x5000xf32>
    %transpose3A_67 = tpu.transpose %concatenate3A_66, [1, 0] : vector<128x5000xf32> -> vector<5000x128xf32>
    %swap3A_68 = arith.constant 10000 : index
    %swap3A_69 = arith.constant 0 : index
    %swap3A_70 = vector.load %arg2[%swap3A_68, %swap3A_69] : memref<25000x128xf32, #tpu.memory_space<vmem>>, vector<5000x128xf32>
    tpu.vector_store %arg2[%swap3A_68, %swap3A_69], %transpose3A_67 {strides = array<i32>} : memref<25000x128xf32, #tpu.memory_space<vmem>>, vector<5000x128xf32>,
    %get3A_71 = arith.constant 0 : index
    %get3A_72 = arith.constant 0 : index
    %get3A_73 = arith.constant 15000 : index
    %get3A_74 = vector.load %arg1[%get3A_71, %get3A_72, %get3A_73] : memref<1x32x100000xf32, #tpu.memory_space<vmem>>, vector<1x32x5000xf32>
    %get3A_75 = vector.shape_cast %get3A_74 : vector<1x32x5000xf32> to vector<32x5000xf32>
    %get3A_76 = arith.constant 0 : index
    %get3A_77 = arith.constant 0 : index
    %get3A_78 = arith.constant 40000 : index
    %get3A_79 = vector.load %arg1[%get3A_76, %get3A_77, %get3A_78] : memref<1x32x100000xf32, #tpu.memory_space<vmem>>, vector<1x32x5000xf32>
    %get3A_80 = vector.shape_cast %get3A_79 : vector<1x32x5000xf32> to vector<32x5000xf32>
    %get3A_81 = arith.constant 0 : index
    %get3A_82 = arith.constant 0 : index
    %get3A_83 = arith.constant 65000 : index
    %get3A_84 = vector.load %arg1[%get3A_81, %get3A_82, %get3A_83] : memref<1x32x100000xf32, #tpu.memory_space<vmem>>, vector<1x32x5000xf32>
    %get3A_85 = vector.shape_cast %get3A_84 : vector<1x32x5000xf32> to vector<32x5000xf32>
    %get3A_86 = arith.constant 0 : index
    %get3A_87 = arith.constant 0 : index
    %get3A_88 = arith.constant 90000 : index
    %get3A_89 = vector.load %arg1[%get3A_86, %get3A_87, %get3A_88] : memref<1x32x100000xf32, #tpu.memory_space<vmem>>, vector<1x32x5000xf32>
    %get3A_90 = vector.shape_cast %get3A_89 : vector<1x32x5000xf32> to vector<32x5000xf32>
    %concatenate3A_91 = tpu.concatenate %get3A_75, %get3A_80, %get3A_85, %get3A_90 in 0 : vector<32x5000xf32>, vector<32x5000xf32>, vector<32x5000xf32>, vector<32x5000xf32> -> vector<128x5000xf32>
    %transpose3A_92 = tpu.transpose %concatenate3A_91, [1, 0] : vector<128x5000xf32> -> vector<5000x128xf32>
    %swap3A_93 = arith.constant 15000 : index
    %swap3A_94 = arith.constant 0 : index
    %swap3A_95 = vector.load %arg2[%swap3A_93, %swap3A_94] : memref<25000x128xf32, #tpu.memory_space<vmem>>, vector<5000x128xf32>
    tpu.vector_store %arg2[%swap3A_93, %swap3A_94], %transpose3A_92 {strides = array<i32>} : memref<25000x128xf32, #tpu.memory_space<vmem>>, vector<5000x128xf32>,
    %get3A_96 = arith.constant 0 : index
    %get3A_97 = arith.constant 0 : index
    %get3A_98 = arith.constant 20000 : index
    %get3A_99 = vector.load %arg1[%get3A_96, %get3A_97, %get3A_98] : memref<1x32x100000xf32, #tpu.memory_space<vmem>>, vector<1x32x5000xf32>
    %get3A_100 = vector.shape_cast %get3A_99 : vector<1x32x5000xf32> to vector<32x5000xf32>
    %get3A_101 = arith.constant 0 : index
    %get3A_102 = arith.constant 0 : index
    %get3A_103 = arith.constant 45000 : index
    %get3A_104 = vector.load %arg1[%get3A_101, %get3A_102, %get3A_103] : memref<1x32x100000xf32, #tpu.memory_space<vmem>>, vector<1x32x5000xf32>
    %get3A_105 = vector.shape_cast %get3A_104 : vector<1x32x5000xf32> to vector<32x5000xf32>
    %get3A_106 = arith.constant 0 : index
    %get3A_107 = arith.constant 0 : index
    %get3A_108 = arith.constant 70000 : index
    %get3A_109 = vector.load %arg1[%get3A_106, %get3A_107, %get3A_108] : memref<1x32x100000xf32, #tpu.memory_space<vmem>>, vector<1x32x5000xf32>
    %get3A_110 = vector.shape_cast %get3A_109 : vector<1x32x5000xf32> to vector<32x5000xf32>
    %get3A_111 = arith.constant 0 : index
    %get3A_112 = arith.constant 0 : index
    %get3A_113 = arith.constant 95000 : index
    %get3A_114 = vector.load %arg1[%get3A_111, %get3A_112, %get3A_113] : memref<1x32x100000xf32, #tpu.memory_space<vmem>>, vector<1x32x5000xf32>
    %get3A_115 = vector.shape_cast %get3A_114 : vector<1x32x5000xf32> to vector<32x5000xf32>
    %concatenate3A_116 = tpu.concatenate %get3A_100, %get3A_105, %get3A_110, %get3A_115 in 0 : vector<32x5000xf32>, vector<32x5000xf32>, vector<32x5000xf32>, vector<32x5000xf32> -> vector<128x5000xf32>
    %transpose3A_117 = tpu.transpose %concatenate3A_116, [1, 0] : vector<128x5000xf32> -> vector<5000x128xf32>
    %swap3A_118 = arith.constant 20000 : index
    %swap3A_119 = arith.constant 0 : index
    %swap3A_120 = vector.load %arg2[%swap3A_118, %swap3A_119] : memref<25000x128xf32, #tpu.memory_space<vmem>>, vector<5000x128xf32>
    tpu.vector_store %arg2[%swap3A_118, %swap3A_119], %transpose3A_117 {strides = array<i32>} : memref<25000x128xf32, #tpu.memory_space<vmem>>, vector<5000x128xf32>,
    return
  }
  func.func @transform_0(%arg0: i32) -> (i32, i32, i32) {
    %c0_i32 = arith.constant 0 : i32
    %c0_i32_0 = arith.constant 0 : i32
    %c0_i32_1 = arith.constant 0 : i32
    return %arg0, %c0_i32, %c0_i32_0 : i32, i32, i32
  }
  func.func @transform_1(%arg0: i32) -> (i32, i32) {
    %c0_i32 = arith.constant 0 : i32
    %c0_i32_0 = arith.constant 0 : i32
    return %arg0, %c0_i32 : i32, i32
  }
}

</mosaic_0001>

<sc_bundles>
// kernel: kernel.4.cloned.1.call-start
scs
__scs_entry_jumppad:
0x0: {  	(pc) =	sbr.rel $0x88, $3  }
0x1: {  	(tag) =	ssettag $0x0;
	lr =	simm.s32 $0x1  }
0x2: {  	[smem:$0x3F9F] =	sst lr;
	_ =	strace $0xD0000000  }
0x3: {  	_ = 	snop  }
0x4: {  	_ = 	snop  }
0x5: {  	_ = 	snop  }
0x6: {  	_ = 	snop  }
0x7: {  	_ = 	snop  }
__scs_overlays_trampoline_lowered:
0x8: {  	[smem:$0x3FAE] =	sst s0  }
0x9: {  	[smem:$0x3FAF] =	sst s1  }
0xa: {  	[smem:$0x3FB0] =	sst s2  }
0xb: {  	[smem:$0x3FB1] =	sst s3  }
0xc: {  	[smem:$0x3FB2] =	sst s4  }
0xd: {  	[smem:$0x3FB3] =	sst s5  }
0xe: {  	[smem:$0x3FB4] =	sst s6  }
0xf: {  	[smem:$0x3FB5] =	sst s7  }
0x10: {  	[smem:$0x3FB6] =	sst s8  }
0x11: {  	[smem:$0x3FB7] =	sst s9;
	s0 =	simm.s32 @!p0 $0x0  }
0x12: {  	s1 =	sld [smem:$0x3F9D];
	s0 =	simm.s32 @p0 $0x1  }
0x13: {  	[smem:$0x3FB8] =	sst s0;
	s0 =	simm.s32 @!p1 $0x0  }
0x14: {  	s2 =	sld [smem:$0x3F9C];
	s0 =	simm.s32 @p1 $0x1  }
0x15: {  	[smem:$0x3FB9] =	sst s0;
	s0 =	simm.s32 @!p2 $0x0  }
0x16: {  	s3 =	sld [smem:$0x3FDB];
	s0 =	simm.s32 @p2 $0x1  }
0x17: {  	s4 =	simm.s32 $0x1BF5;
	[smem:$0x3FBB] =	sst s0  }
0x18: {  	s0 =	sld [smem:$0x3F9E];
	_ =	swait.ge [sflag:s4], $0x0  }
0x19: {  	s7 =	sld [smem:$0x3F9F]  }
0x1a: {  	s8 =	sadd.s32 $0xFFFFE003, lr  }
0x1b: {  	s9 =	sadd.s32 $0xFFFFFEF7, lr;
	s5 =	simm.s32 $0xFFFFFFFF;
	p2 =	slt.u32 s8, $0xFFFFF086  }
0x1c: {  	p1 =	slt.u32 s9, $0xF7A;
	s5 =	simm.s32 @!p2 $0x0  }
0x1d: {  	s5 =	simm.s32 @p1 $0x1;
	p0 =	seq.s32 s7, s2  }
0x1e: {  	s7 =	smul.u32 @!p0 $0xF7A, s2;
	p2 =	seq.s32 @!p0 s5, $0x0  }
0x1f: {  	s9 =	smul.u32 $0xF7A, s1;
	s8 =	simm.s32 @!p0 $0x1BF5;
	p2 =	por !p2, p0  }
0x20: {  	[sflag:s8] =	ssyncset.s32 @!p0 $0xFFFFF086;
	s6 =	sadd.s32 @!p0 s3, s7;
	s7 =	simm.s32 @!p0 $0x108  }
0x21: {  	s3 =	sadd.s32 s3, s9;
	s6 =	sadd.s32 @!p0 $0x88, s6;
	s7 =	simm.s32 @p2 $0x1082  }
0x22: {  	[simem:s7], [sflag:s8] =	dma.local @!p0 [hbm:s6], $0xF7A  }
0x23: {  	s9 =	sor.u32 $0xD0000000, s2;
	s6 =	simm.s32 $0x108;
	_ =	swait.ge @!p0 [sflag:s8], $0x0  }
0x24: {  	s3 =	sadd.s32 $0x88, s3;
	s6 =	simm.s32 @!p1 $0x1082;
	[sflag:s4] =	ssyncset.s32 $0xFFFFF086  }
0x25: {  	[simem:s6], [sflag:s4] =	dma.local [hbm:s3], $0xF7A  }
0x26: {  	[smem:$0x3F9F] =	sst s1;
	(tag) =	ssettag s2;
	_ =	strace s9  }
0x27: {  	s1 =	sld [smem:$0x3FAF]  }
0x28: {  	s2 =	sld [smem:$0x3FB0]  }
0x29: {  	s4 =	sld [smem:$0x3FB2]  }
0x2a: {  	p0 =	seq.s32 s5, $0x0;
	s5 =	sld [smem:$0x3FB3]  }
0x2b: {  	s6 =	sld [smem:$0x3FB4]  }
0x2c: {  	s7 =	sld [smem:$0x3FB5]  }
0x2d: {  	s3 =	simm.s32 $0x108;
	s8 =	sld [smem:$0x3FB6]  }
0x2e: {  	s3 =	simm.s32 @!p0 $0x1082;
	s9 =	sld [smem:$0x3FB7]  }
0x2f: {  	lr =	sadd.s32 s0, s3;
	s0 =	sld [smem:$0x3FAE]  }
0x30: {  	s3 =	sld [smem:$0x3FB1]  }
0x31: {  	[smem:$0x3FBA] =	sst s10  }
0x32: {  	s10 =	sld [smem:$0x3FB8];
	_ =	sdelay $0x3  }
0x33: {  	p0 =	seq.s32 s10, $0x1;
	s10 =	sld [smem:$0x3FBA];
	_ =	sdelay $0x3  }
0x34: {  	[smem:$0x3FBA] =	sst s10  }
0x35: {  	s10 =	sld [smem:$0x3FB9];
	_ =	sdelay $0x3  }
0x36: {  	p1 =	seq.s32 s10, $0x1;
	s10 =	sld [smem:$0x3FBA];
	_ =	sdelay $0x3  }
0x37: {  	[smem:$0x3FBA] =	sst s10  }
0x38: {  	s10 =	sld [smem:$0x3FBB]  }
0x39: {  	_ = 	snop;
	(pc) =	sbr.ind lr, $3  }
0x3a: {  	_ = 	snop  }
0x3b: {  	_ = 	snop  }
0x3c: {  	p2 =	seq.s32 s10, $0x1;
	s10 =	sld [smem:$0x3FBA]  }
0x3d: {  	_ =	shalt  }
0x3e: {  	_ =	shalt  }
0x3f: {  	_ =	shalt  }
0x40: {  	_ =	shalt  }
0x41: {  	_ =	shalt  }
0x42: {  	_ =	shalt  }
0x43: {  	_ =	shalt  }
0x44: {  	_ =	shalt  }
0x45: {  	_ =	shalt  }
0x46: {  	_ =	shalt  }
0x47: {  	_ =	shalt  }
0x48: {  	_ =	shalt  }
0x49: {  	_ =	shalt  }
0x4a: {  	_ =	shalt  }
0x4b: {  	_ =	shalt  }
0x4c: {  	_ =	shalt  }
0x4d: {  	_ =	shalt  }
0x4e: {  	_ =	shalt  }
0x4f: {  	_ =	shalt  }
0x50: {  	_ =	shalt  }
0x51: {  	_ =	shalt  }
0x52: {  	_ =	shalt  }
0x53: {  	_ =	shalt  }
0x54: {  	_ =	shalt  }
0x55: {  	_ =	shalt  }
0x56: {  	_ =	shalt  }
0x57: {  	_ =	shalt  }
0x58: {  	_ =	shalt  }
0x59: {  	_ =	shalt  }
0x5a: {  	_ =	shalt  }
0x5b: {  	_ =	shalt  }
0x5c: {  	_ =	shalt  }
0x5d: {  	_ =	shalt  }
0x5e: {  	_ =	shalt  }
0x5f: {  	_ =	shalt  }
0x60: {  	_ =	shalt  }
0x61: {  	_ =	shalt  }
0x62: {  	_ =	shalt  }
0x63: {  	_ =	shalt  }
0x64: {  	_ =	shalt  }
0x65: {  	_ =	shalt  }
0x66: {  	_ =	shalt  }
0x67: {  	_ =	shalt  }
0x68: {  	_ =	shalt  }
0x69: {  	_ =	shalt  }
0x6a: {  	_ =	shalt  }
0x6b: {  	_ =	shalt  }
0x6c: {  	_ =	shalt  }
0x6d: {  	_ =	shalt  }
0x6e: {  	_ =	shalt  }
0x6f: {  	_ =	shalt  }
0x70: {  	_ =	shalt  }
0x71: {  	_ =	shalt  }
0x72: {  	_ =	shalt  }
0x73: {  	_ =	shalt  }
0x74: {  	_ =	shalt  }
0x75: {  	_ =	shalt  }
0x76: {  	_ =	shalt  }
0x77: {  	_ =	shalt  }
0x78: {  	_ =	shalt  }
0x79: {  	_ =	shalt  }
0x7a: {  	_ =	shalt  }
0x7b: {  	_ =	shalt  }
0x7c: {  	_ =	shalt  }
0x7d: {  	_ =	shalt  }
0x7e: {  	_ =	shalt  }
0x7f: {  	_ =	shalt  }
0x80: {  	_ =	shalt  }
0x81: {  	_ =	shalt  }
0x82: {  	_ =	shalt  }
0x83: {  	_ =	shalt  }
0x84: {  	_ =	shalt  }
0x85: {  	_ =	shalt  }
0x86: {  	_ =	shalt  }
0x87: {  	_ =	shalt  }
.Lfunc_end0:
.L_simem_size_0:
called_computation.1_lowered:
.L_overlay_start_0:
0x88: {  	s2 =	sld [smem:$0x3FD9]  }
0x89: {  	s3 =	sld [smem:$0x3FFE];
	_ =	sdelay $0x1  }
0x8a: {  	s1 =	srdreg.scid  }
0x8b: {  	s0 =	sand.u32 $0x1, s1  }
0x8c: {  	s17 =	sshll.u32 s0, $0xA;
	s2 =	sadd.s32 s3, s2  }
0x8d: {  	s2 =	sadd.s32 s2, s17  }
0x8e: {  	[smem:$0x3FC6] =	sst s2  }
0x8f: {  	_ = 	snop  }
0x90: {  	s2 =	sld [smem:$0x3FD0];
	(tm) =	ssettm $0x1  }
0x91: {  	s18 =	sld [smem:$0x3FFB];
	_ =	sdelay $0x3  }
0x92: {  	_ =	strace s18  }
0x93: {  	s3 =	sld [smem:$0x3FFC];
	_ =	sdelay $0x3  }
0x94: {  	_ =	strace s3  }
0x95: {  	s3 =	sld [smem:$0x3FFD];
	_ =	sdelay $0x3  }
0x96: {  	_ =	strace s3  }
0x97: {  	_ =	strace $0x8FFFFFFF  }
0x98: {  	s19 =	sld [smem:$0x3FDB];
	_ =	sdelay $0x1  }
0x99: {  	s4 =	simm.s32 $_scs_section_size  }
0x9a: {  	s5 =	simm.s32 $_size__tile_overlayer_lowered;
	s6 =	simm.s32 $_tile_overlayer_lowered  }
0x9b: {  	s22 =	simm.s32 $0x1BFF;
	s21 =	sshll.u32 s6, $0x1;
	s3 =	sadd.s32 s4, s19  }
0x9c: {  	s7 =	simm.s32 $0x0;
	s20 =	sshll.u32 s5, $0x1;
	s5 =	sadd.s32 s21, s3  }
0x9d: {  	[timem:s7], [sflag:s22] =	dma.local [hbm:s5], s20  }
0x9e: {  	_ =	swait.ge [sflag:s22], s20  }
0x9f: {  	s4 =	ssub.s32 $0x0, s20;
	[sflag:s22] =	ssyncset.done $0x0  }
0xa0: {  	[sflag:s22] =	ssyncadd.s32 s4;
	_ =	sdelay $0x1  }
0xa1: {  	s23 =	simm.s32 $0x1B8B  }
0xa2: {  	_ =	swait.ge [sflag:s23], $0x1  }
0xa3: {  	[sflag:s23] =	ssyncset.done $0x0  }
0xa4: {  	s25 =	simm.s32 $0x1B8E;
	s24 =	sld [smem:$0x3FFE];
	[sflag:s23] =	ssyncadd.s32 $0xFFFFFFFF  }
0xa5: {  	s26 =	simm.s32 $execute0_lowered;
	[smem:$0x3FD2] =	sst s25  }
0xa6: {  	s5 =	sshll.u32 s26, $0x1;
	_ =	strace $0x80000046;
	[dreg:$0x1] =	wrdreg $0xFFFFFFFF  }
0xa7: {  	s28 =	simm.s32 $_size_execute0_lowered;
	s3 =	sadd.s32 s3, s5;
	[dreg:$0x0] =	wrdreg $0x0  }
0xa8: {  	s5 =	sshll.u32 s28, $0x1;
	[dreg:$0x2] =	wrdreg s3  }
0xa9: {  	[dreg:$0x3] =	wrdreg s5  }
0xaa: {  	[dreg:$0x4] =	wrdreg $0xC0  }
0xab: {  	_ =	task [dreg:s7], $0x5FFFF  }
0xac: {  	[dreg:$0x1] =	wrdreg $0xFFFFFFFF  }
0xad: {  	[dreg:$0x0] =	wrdreg $0x60  }
0xae: {  	[dreg:$0x2] =	wrdreg s24  }
0xaf: {  	[dreg:$0x3] =	wrdreg s2  }
0xb0: {  	[dreg:$0x4] =	wrdreg $0x9  }
0xb1: {  	_ =	task.clear_ibuf [dreg:s7], $0x5FFFF;
	_ =	strace $0x90000046  }
0xb2: {  	s29 =	simm.s32 $0x9;
	_ =	strace $0x80000048  }
0xb3: {  	_ =	swait.ge [sflag:s29], $0x1  }
0xb4: {  	[sflag:s29] =	ssyncadd.s32 $0xFFFFFFFF  }
0xb5: {  	_ =	strace $0x90000048  }
0xb6: {  	_ =	sfence  }
0xb7: {  	s30 =	sld [smem:$0x0];
	_ =	sdelay $0x2  }
0xb8: {  	s31 =	sshll.u32 s1, $0xD;
	s1 =	sshrl.u32 s1, $0x2  }
0xb9: {  	s3 =	sand.u32 $0x4000, s31;
	s1 =	sadd.s32 s1, s30  }
0xba: {  	s0 =	sor.u32 s3, s0;
	s1 =	sshll.u32 s1, $0x11  }
0xbb: {  	s0 =	sor.u32 s1, s0  }
0xbc: {  	s0 =	sadd.s32 $0x8F2B, s0  }
0xbd: {  	[sflag:s0] =	ssyncadd.remote.s32 $0x1  }
0xbe: {  	_ =	sfence.sel $0xFFFF  }
0xbf: {  	[dreg:$0x0] =	wrdreg $0xFFFFFFFF;
	(pc) =	sbr.abs _section_cstart, $3  }
0xc0: {  	[dreg:$0x1] =	wrdreg $0xFFFFFFFF  }
0xc1: {  	_ =	task.clear_ibuf [dreg:s7], $0x2FFFF;
	_ =	strace $0x9FFFFFFF  }
0xc2: {  	(tm) =	ssettm $0x7FFFFFFF  }
0xc3: {  	_ =	shalt  }
tec
execute0_lowered:
.L_overlay_start_1:
0x0: {  	(tag) =	ssettag $0x1  }
0x1: {  	s0 =	rddreg [dreg:$0x0];
	s1 =	simm.s32 $0x0;
	s23 =	srdreg.scid  }
0x2: {  	s3 =	stileid.u32;
	s10 =	simm.s32 $0x2;
	s11 =	simm.s32 $0x80  }
0x3: {  	s13 =	simm.s32 $0x1380;
	s20 =	simm.s32 $0xF00;
	s21 =	simm.s32 $0x5380  }
0x4: {  	s22 =	simm.s32 $0xF80;
	s28 =	simm.s32 $0x8380;
	s29 =	simm.s32 $0x1100  }
0x5: {  	s30 =	simm.s32 $0x9380;
	s31 =	simm.s32 $0x1180;
	s9 =	simm.s32 $0xB380  }
0x6: {  	s5 =	simm.s32 $0x1280;
	s8 =	simm.s32 $0xC380;
	s12 =	simm.s32 $0x1  }
0x7: {  	s15 =	simm.s32 $0x0;
	[smem:$0x7FF] =	sst s1;
	s1 =	sand.u32 $0x1, s23  }
0x8: {  	s4 =	sadd.s32 $0xA00, s0;
	s2 =	sadd.s32 $0x800, s0;
	s6 =	sadd.s32 $0xDA00, s0  }
0x9: {  	s26 =	sshll.u32 s3, $0x4;
	s23 =	simm.s32 $0x6380;
	s3 =	simm.s32 $0x1200  }
0xa: {  	_ =	strace $0x80000047;
	[dreg:$0x3] =	wrdreg s2;
	s24 =	ssub.s32 $0x2, s1  }
0xb: {  	s1 =	sshll.u32 s1, $0x3;
	s2 =	simm.s32 $0xD380;
	s25 =	sshrl.u32 s24, $0x1  }
0xc: {  	s7 =	sor.u32 s1, s26;
	s26 =	simm.s32 $0x1080;
	s0 =	ssub.s32 s24, s25  }
0xd: {  	s1 =	simm.s32 $0x1300;
	s24 =	simm.s32 $0x1000;
	s0 =	smax.u32 s0, $0x1  }
0xe: {  	v0 =	vimm.s32 $0x0;
	s25 =	simm.s32 $0x7380;
	[dreg:$0x4] =	wrdreg s0;
	s0 =	simm.s32 $0xA380  }
.LBB2_1:
0xf: {  	[dreg:$0x5] =	wrdreg s15  }
0x10: {  	s14 =	simm.s32 $0x0;
	s19 =	rddreg [dreg:$0x3];
	s16 =	simm.s32 $0x680  }
0x11: {  	[tilespmem:s16], [sflag:$0x2] =	stream.linear.gather [hbm4b:s19+s14], $0x680, $0x38;
	[tilespmem:$0xE380] =	vst v63  }
0x12: {  	_ =	swait.ge [sflag:s10], $0x680  }
0x13: {  	[sflag:s10] =	ssyncset.done $0x0  }
0x14: {  	s14 =	simm.s32 $0x0;
	[sflag:s10] =	ssyncadd.s32 $0xFFFFF980  }
.LBB2_2:
0x15: {  	s15 =	sadd.s32 s7, s14  }
0x16: {  	s16 =	smul.u32 $0xD0, s15;
	_ =	sdelay $0x1  }
0x17: {  	s17 =	simm.s32 $0x0;
	s16 =	sadd.s32 s4, s16  }
0x18: {  	[tilespmem:s17], [sflag:$0x2] =	stream.linear.gather [hbm4b:s16+s17], $0x680, $0x38;
	[tilespmem:$0xE380] =	vst v63  }
0x19: {  	_ =	swait.ge [sflag:s10], $0x680  }
0x1a: {  	[sflag:s10] =	ssyncset.done $0x0  }
0x1b: {  	s16 =	simm.s32 $0x0;
	[sflag:s10] =	ssyncadd.s32 $0xFFFFF980  }
0x1c: {  	v1 =	vld [tilespmem:s16+$0x0];
	_ =	sdelay $0x4  }
0x1d: {  	vm0 =	vgt.s32 v1, $0x61A7;
	vm1 =	vgt.s32 v1, $0xC34F  }
0x1e: {  	s17 =	simm.s32 $0x10;
	v2 =	vsel vm0, $0x1, v0;
	v3 =	vsel vm1, $0x1, v0  }
0x1f: {  	vm15 =	vgt.s32 v1, $0x124F7;
	v3 =	vadd.s32 v3, v2;
	v2 =	vld [tilespmem:s17+$0x0]  }
0x20: {  	v4 =	vsel vm15, $0x1, v0  }
0x21: {  	v4 =	vadd.s32 v4, v3;
	v3 =	vld [tilespmem:s16+$0x680];
	_ =	sdelay $0x1  }
0x22: {  	s18 =	simm.s32 $0x80;
	v5 =	vmul.u32 $0x3FFF9E58, v4  }
.LBB2_3:
0x23: {  	s19 =	sshra.s32 s18, $0x2;
	vm0 =	vgt.s32 v2, $0x61A7;
	vm1 =	vgt.s32 v2, $0x124F7;
	p0 =	sne.s32 s18, $0x19C0  }
.Ltmp0:
0x24: {  	s18 =	sadd.s32 $0x40, s18;
	v6 =	vsel vm0, $0x1, v0;
	vm0 =	vgt.s32 v2, $0xC34F;
	v5 =	vadd.s32 v1, v5;
	v1 =	vmovc v2;
	v2 =	vld [tilespmem:s19+$0x0];
	(pc) =	sbr.rel @p0 .LBB2_3-.Ltmp0, $4  }
0x25: {  	v7 =	vsel vm0, $0x1, v0;
	v5 =	vshll.u32 v5, $0x2;
	v4 =	vadd.s32 v3, v4  }
0x26: {  	v6 =	vadd.s32 v7, v6;
	v7 =	vsel vm1, $0x1, v0;
	v3 =	vld [tilespmem:s17+$0x680];
	v5 =	vadd.s32 v5, v4  }
0x27: {  	v4 =	vadd.s32 v7, v6;
	[tilespmem:s16+$0xD00] =	vst v5;
	s16 =	smov.u32 s17;
	s17 =	smov.u32 s19  }
0x28: {  	v5 =	vmul.u32 $0x3FFF9E58, v4  }
0x29: {  	vm0 =	vgt.s32 v2, $0x61A7;
	vm1 =	vgt.s32 v2, $0xC34F  }
0x2a: {  	vm15 =	vgt.s32 v2, $0x124F7;
	v6 =	vsel vm0, $0x1, v0;
	v7 =	vsel vm1, $0x1, v0  }
0x2b: {  	v8 =	vld [tilespmem:s17+$0x680];
	v63 =	vsel vm15, $0x1, v0;
	v6 =	vadd.s32 v7, v6  }
0x2c: {  	v6 =	vadd.s32 v63, v6  }
0x2d: {  	v7 =	vmul.u32 $0x3FFF9E58, v6  }
0x2e: {  	v1 =	vadd.s32 v1, v5  }
0x2f: {  	v3 =	vadd.s32 v3, v4;
	v1 =	vshll.u32 v1, $0x2;
	v2 =	vadd.s32 v2, v7  }
0x30: {  	v1 =	vadd.s32 v1, v3;
	v3 =	vadd.s32 v8, v6;
	v2 =	vshll.u32 v2, $0x2  }
0x31: {  	[tilespmem:s16+$0xD00] =	vst v1;
	v1 =	vadd.s32 v2, v3  }
0x32: {  	[tilespmem:s17+$0xD00] =	vst v1;
	s17 =	simm.s32 $0xD00  }
0x33: {  	[tilespmem:s13], [sflag:$0x1] =	stream.indirect.gather [hbm4b:s6+s11], $0x20, s17, s11, $0xb8;
	[tilespmem:$0xE380] =	vst v63  }
0x34: {  	s18 =	simm.s32 $0xD80;
	s19 =	simm.s32 $0x2380  }
0x35: {  	[tilespmem:s19], [sflag:$0x1] =	stream.indirect.gather [hbm4b:s6+s11], $0x20, s18, s11, $0xb8;
	[tilespmem:$0xE380] =	vst v63  }
0x36: {  	s18 =	simm.s32 $0xE00;
	s19 =	simm.s32 $0x3380  }
0x37: {  	[tilespmem:s19], [sflag:$0x1] =	stream.indirect.gather [hbm4b:s6+s11], $0x20, s18, s11, $0xb8;
	[tilespmem:$0xE380] =	vst v63  }
0x38: {  	s18 =	simm.s32 $0xE80;
	s19 =	simm.s32 $0x4380  }
0x39: {  	[tilespmem:s19], [sflag:$0x1] =	stream.indirect.gather [hbm4b:s6+s11], $0x20, s18, s11, $0xb8;
	[tilespmem:$0xE380] =	vst v63  }
0x3a: {  	_ = 	snop  }
0x3b: {  	[tilespmem:s21], [sflag:$0x1] =	stream.indirect.gather [hbm4b:s6+s11], $0x20, s20, s11, $0xb8;
	[tilespmem:$0xE380] =	vst v63  }
0x3c: {  	_ = 	snop  }
0x3d: {  	[tilespmem:s23], [sflag:$0x1] =	stream.indirect.gather [hbm4b:s6+s11], $0x20, s22, s11, $0xb8;
	[tilespmem:$0xE380] =	vst v63  }
0x3e: {  	_ = 	snop  }
0x3f: {  	[tilespmem:s25], [sflag:$0x1] =	stream.indirect.gather [hbm4b:s6+s11], $0x20, s24, s11, $0xb8;
	[tilespmem:$0xE380] =	vst v63  }
0x40: {  	_ = 	snop  }
0x41: {  	[tilespmem:s28], [sflag:$0x1] =	stream.indirect.gather [hbm4b:s6+s11], $0x20, s26, s11, $0xb8;
	[tilespmem:$0xE380] =	vst v63  }
0x42: {  	_ = 	snop  }
0x43: {  	[tilespmem:s30], [sflag:$0x1] =	stream.indirect.gather [hbm4b:s6+s11], $0x20, s29, s11, $0xb8;
	[tilespmem:$0xE380] =	vst v63  }
0x44: {  	_ = 	snop  }
0x45: {  	[tilespmem:s0], [sflag:$0x1] =	stream.indirect.gather [hbm4b:s6+s11], $0x20, s31, s11, $0xb8;
	[tilespmem:$0xE380] =	vst v63  }
0x46: {  	_ = 	snop  }
0x47: {  	[tilespmem:s9], [sflag:$0x1] =	stream.indirect.gather [hbm4b:s6+s11], $0x20, s3, s11, $0xb8;
	[tilespmem:$0xE380] =	vst v63  }
0x48: {  	_ = 	snop  }
0x49: {  	[tilespmem:s8], [sflag:$0x1] =	stream.indirect.gather [hbm4b:s6+s11], $0x20, s5, s11, $0xb8;
	[tilespmem:$0xE380] =	vst v63  }
0x4a: {  	_ = 	snop  }
0x4b: {  	[tilespmem:s2], [sflag:$0x1] =	stream.indirect.gather [hbm4b:s6+s11], $0x20, s1, s11, $0xb8;
	[tilespmem:$0xE380] =	vst v63  }
0x4c: {  	_ =	swait.ge [sflag:s12], $0x1000  }
0x4d: {  	[sflag:s12] =	ssyncset.done $0x0  }
0x4e: {  	[sflag:s12] =	ssyncadd.s32 $0xFFFFF000  }
0x4f: {  	_ =	swait.ge [sflag:s12], $0x1000  }
0x50: {  	[sflag:s12] =	ssyncset.done $0x0  }
0x51: {  	[sflag:s12] =	ssyncadd.s32 $0xFFFFF000  }
0x52: {  	_ =	swait.ge [sflag:s12], $0x1000  }
0x53: {  	[sflag:s12] =	ssyncset.done $0x0  }
0x54: {  	[sflag:s12] =	ssyncadd.s32 $0xFFFFF000  }
0x55: {  	_ =	swait.ge [sflag:s12], $0x1000  }
0x56: {  	[sflag:s12] =	ssyncset.done $0x0  }
0x57: {  	[sflag:s12] =	ssyncadd.s32 $0xFFFFF000  }
0x58: {  	_ =	swait.ge [sflag:s12], $0x1000  }
0x59: {  	[sflag:s12] =	ssyncset.done $0x0  }
0x5a: {  	[sflag:s12] =	ssyncadd.s32 $0xFFFFF000  }
0x5b: {  	_ =	swait.ge [sflag:s12], $0x1000  }
0x5c: {  	[sflag:s12] =	ssyncset.done $0x0  }
0x5d: {  	[sflag:s12] =	ssyncadd.s32 $0xFFFFF000  }
0x5e: {  	_ =	swait.ge [sflag:s12], $0x1000  }
0x5f: {  	[sflag:s12] =	ssyncset.done $0x0  }
0x60: {  	[sflag:s12] =	ssyncadd.s32 $0xFFFFF000  }
0x61: {  	_ =	swait.ge [sflag:s12], $0x1000  }
0x62: {  	[sflag:s12] =	ssyncset.done $0x0  }
0x63: {  	[sflag:s12] =	ssyncadd.s32 $0xFFFFF000  }
0x64: {  	_ =	swait.ge [sflag:s12], $0x1000  }
0x65: {  	[sflag:s12] =	ssyncset.done $0x0  }
0x66: {  	[sflag:s12] =	ssyncadd.s32 $0xFFFFF000  }
0x67: {  	_ =	swait.ge [sflag:s12], $0x1000  }
0x68: {  	[sflag:s12] =	ssyncset.done $0x0  }
0x69: {  	[sflag:s12] =	ssyncadd.s32 $0xFFFFF000  }
0x6a: {  	_ =	swait.ge [sflag:s12], $0x1000  }
0x6b: {  	[sflag:s12] =	ssyncset.done $0x0  }
0x6c: {  	[sflag:s12] =	ssyncadd.s32 $0xFFFFF000  }
0x6d: {  	_ =	swait.ge [sflag:s12], $0x1000  }
0x6e: {  	[sflag:s12] =	ssyncset.done $0x0  }
0x6f: {  	[sflag:s12] =	ssyncadd.s32 $0xFFFFF000  }
0x70: {  	_ =	swait.ge [sflag:s12], $0x1000  }
0x71: {  	[sflag:s12] =	ssyncset.done $0x0  }
0x72: {  	s15 =	smul.u32 $0x1A00, s15;
	s14 =	sadd.s32 $0x1, s14;
	[sflag:s12] =	ssyncadd.s32 $0xFFFFF000  }
0x73: {  	p0 =	sne.s32 s14, $0x8;
	s18 =	rddreg [dreg:$0x1]  }
.Ltmp1:
0x74: {  	s19 =	simm.s32 $0x0;
	s15 =	sadd.s32 s18, s15;
	(pc) =	sbr.rel @p0 .LBB2_2-.Ltmp1, $4  }
0x75: {  	[hbm4b:s15+s19] =	stream.linear.scatter [tilespmem:s13], [sflag:$0x2], $0xD000, $0x38;
	[tilespmem:$0xE380] =	vst v63  }
0x76: {  	_ =	swait.ge [sflag:s10], $0xD000  }
0x77: {  	[sflag:s10] =	ssyncset.done $0x0  }
0x78: {  	[sflag:s10] =	ssyncadd.s32 $0xFFFF3000  }
0x79: {  	s15 =	rddreg [dreg:$0x5]  }
0x7a: {  	s14 =	rddreg [dreg:$0x4];
	s15 =	sadd.s32 $0x1, s15  }
0x7b: {  	p0 =	sne.s32 s15, s14  }
.Ltmp2:
0x7c: {  	_ = 	snop;
	(pc) =	sbr.rel @p0 .LBB2_1-.Ltmp2, $1  }
0x7d: {  	_ =	sdelay $0x3  }
0x7e: {  	_ =	sfence.sel $0x180000  }
0x7f: {  	[bflag:$0x0] =	sbarrier.arrive $0xFFFF  }
0x80: {  	_ =	strace $0x90000047  }
0x81: {  	s0 =	stileid.u32;
	[bflag:$0x2] =	sbarrier.arrive $0xFFFF  }
0x82: {  	p0 =	sne.s32 s0, $0x0;
	s0 =	rddreg [dreg:$0x2]  }
0x83: {  	s0 =	sadd.s32 @!p0 $0x100000, s0  }
0x84: {  	[sflag:s0] =	ssyncadd.tile.s32 @!p0 $0x1;
	_ =	shalt  }
.Lfunc_end2:
_tile_overlayer_lowered:
.L_overlay_start_2:
0x85: {  	(tag) =	ssettag $0x2  }
0x86: {  	s0 =	rddreg [dreg:$0x0];
	s2 =	stileid.u32  }
0x87: {  	s1 =	rddreg [dreg:$0x1];
	p0 =	sne.s32 s2, $0x0  }
0x88: {  	s3 =	rddreg [dreg:$0x2];
	[bflag:$0x3] =	sbarrier.arrive $0xFFFF;
	s2 =	simm.s32 @!p0 $0x1C02  }
0x89: {  	[timem:s3], [sflag:s2] =	dma.local @!p0 [hbm:s0], s1  }
0x8a: {  	s0 =	simm.s32 @!p0 $0x2  }
0x8b: {  	_ =	swait.ge @!p0 [sflag:s0], s1  }
0x8c: {  	s1 =	ssub.s32 @!p0 $0x0, s1;
	[sflag:s0] =	ssyncset.done @!p0 $0x0  }
0x8d: {  	[sflag:s0] =	ssyncadd.s32 @!p0 s1  }
0x8e: {  	[bflag:$0x3] =	sbarrier.arrive $0xFFFF  }
0x8f: {  	_ =	shalt  }

// kernel: sparse-core-data-format-call.cloned.1.call-start
scs
called_computation_lowered:
.L_overlay_start_0:
0x0: {  	s2 =	sld [smem:$0x3FD9]  }
0x1: {  	s3 =	sld [smem:$0x3FFE];
	_ =	sdelay $0x1  }
0x2: {  	s1 =	srdreg.scid  }
0x3: {  	s0 =	sand.u32 $0x1, s1  }
0x4: {  	s18 =	sshll.u32 s0, $0xA;
	s2 =	sadd.s32 s3, s2  }
0x5: {  	s2 =	sadd.s32 s2, s18  }
0x6: {  	[smem:$0x3FC6] =	sst s2  }
0x7: {  	_ = 	snop  }
0x8: {  	s2 =	sld [smem:$0x3FD0];
	(tm) =	ssettm $0x1  }
0x9: {  	s19 =	sld [smem:$0x3FFB];
	_ =	sdelay $0x3  }
0xa: {  	_ =	strace s19  }
0xb: {  	s3 =	sld [smem:$0x3FFC];
	_ =	sdelay $0x3  }
0xc: {  	_ =	strace s3  }
0xd: {  	s3 =	sld [smem:$0x3FFD];
	_ =	sdelay $0x3  }
0xe: {  	_ =	strace s3  }
0xf: {  	_ =	strace $0x8FFFFFFF  }
0x10: {  	s20 =	sld [smem:$0x3FDB];
	_ =	sdelay $0x1  }
0x11: {  	s4 =	simm.s32 $_scs_section_size  }
0x12: {  	s5 =	simm.s32 $_size__tile_overlayer_lowered;
	s6 =	simm.s32 $_tile_overlayer_lowered  }
0x13: {  	s23 =	simm.s32 $0x1BFF;
	s22 =	sshll.u32 s6, $0x1;
	s3 =	sadd.s32 s4, s20  }
0x14: {  	s7 =	simm.s32 $0x0;
	s21 =	sshll.u32 s5, $0x1;
	s5 =	sadd.s32 s22, s3  }
0x15: {  	[timem:s7], [sflag:s23] =	dma.local [hbm:s5], s21  }
0x16: {  	_ =	swait.ge [sflag:s23], s21  }
0x17: {  	s4 =	ssub.s32 $0x0, s21;
	[sflag:s23] =	ssyncset.done $0x0  }
0x18: {  	[sflag:s23] =	ssyncadd.s32 s4;
	_ =	sdelay $0x1  }
0x19: {  	s24 =	simm.s32 $0x1B8B  }
0x1a: {  	_ =	swait.ge [sflag:s24], $0x1  }
0x1b: {  	[sflag:s24] =	ssyncset.done $0x0  }
0x1c: {  	s26 =	simm.s32 $0x1B8E;
	s25 =	sld [smem:$0x3FFE];
	[sflag:s24] =	ssyncadd.s32 $0xFFFFFFFF  }
0x1d: {  	s27 =	simm.s32 $execute0_lowered;
	[smem:$0x3FD2] =	sst s26  }
0x1e: {  	s5 =	sshll.u32 s27, $0x1;
	_ =	strace $0x80000049;
	[dreg:$0x1] =	wrdreg $0xFFFFFFFF  }
0x1f: {  	s28 =	simm.s32 $_size_execute0_lowered;
	s3 =	sadd.s32 s3, s5;
	[dreg:$0x0] =	wrdreg $0x0  }
0x20: {  	s5 =	sshll.u32 s28, $0x1;
	[dreg:$0x2] =	wrdreg s3  }
0x21: {  	[dreg:$0x3] =	wrdreg s5  }
0x22: {  	[dreg:$0x4] =	wrdreg $0xC0  }
0x23: {  	_ =	task [dreg:s7], $0x5FFFF  }
0x24: {  	[dreg:$0x1] =	wrdreg $0xFFFFFFFF  }
0x25: {  	[dreg:$0x0] =	wrdreg $0x60  }
0x26: {  	[dreg:$0x2] =	wrdreg s25  }
0x27: {  	[dreg:$0x3] =	wrdreg s2  }
0x28: {  	[dreg:$0x4] =	wrdreg $0x9  }
0x29: {  	_ =	task.clear_ibuf [dreg:s7], $0x5FFFF;
	_ =	strace $0x90000049  }
0x2a: {  	s29 =	simm.s32 $0x9;
	_ =	strace $0x8000004B  }
0x2b: {  	_ =	swait.ge [sflag:s29], $0x1  }
0x2c: {  	[sflag:s29] =	ssyncadd.s32 $0xFFFFFFFF  }
0x2d: {  	_ =	strace $0x9000004B  }
0x2e: {  	_ =	sfence  }
0x2f: {  	s30 =	sld [smem:$0x0];
	_ =	sdelay $0x2  }
0x30: {  	s31 =	sshll.u32 s1, $0xD;
	s1 =	sshrl.u32 s1, $0x2  }
0x31: {  	s3 =	sand.u32 $0x4000, s31;
	s1 =	sadd.s32 s1, s30  }
0x32: {  	s0 =	sor.u32 s3, s0;
	s1 =	sshll.u32 s1, $0x11  }
0x33: {  	s0 =	sor.u32 s1, s0  }
0x34: {  	s0 =	sadd.s32 $0x8F2B, s0  }
0x35: {  	[sflag:s0] =	ssyncadd.remote.s32 $0x1  }
0x36: {  	_ =	sfence.sel $0xFFFF  }
0x37: {  	[dreg:$0x0] =	wrdreg $0xFFFFFFFF;
	(pc) =	sbr.abs _section_cstart, $3  }
0x38: {  	[dreg:$0x1] =	wrdreg $0xFFFFFFFF  }
0x39: {  	_ =	task.clear_ibuf [dreg:s7], $0x2FFFF;
	_ =	strace $0x9FFFFFFF  }
0x3a: {  	(tm) =	ssettm $0x7FFFFFFF  }
0x3b: {  	_ =	shalt  }
tec
execute0_lowered:
.L_overlay_start_1:
0x0: {  	(tag) =	ssettag $0x1  }
0x1: {  	s0 =	srdreg.scid  }
0x2: {  	s1 =	sshll.u32 s0, $0x4  }
0x3: {  	s6 =	rddreg [dreg:$0x0];
	s0 =	stileid.u32;
	s1 =	sand.u32 $0x10, s1  }
0x4: {  	s3 =	rddreg [dreg:$0x1];
	s1 =	sor.u32 s0, s1  }
0x5: {  	s5 =	simm.s32 $0x1;
	s31 =	simm.s32 $0x2;
	s2 =	sshll.u32 s1, $0x7  }
0x6: {  	s15 =	simm.s32 $0x0;
	s8 =	simm.s32 $0x20000;
	s4 =	ssub.s32 $0x4000, s2  }
0x7: {  	s14 =	simm.s32 $0x0;
	s9 =	simm.s32 $0x0;
	s30 =	sand.u32 $0xF80, s4  }
0x8: {  	s10 =	simm.s32 $0x0;
	s11 =	simm.s32 $0x0;
	p0 =	sne.s32 s30, $0x0  }
.Ltmp0:
0x9: {  	s7 =	sshrl.u32 s4, $0xC;
	s5 =	simm.s32 @!p0 $0x0;
	(pc) =	sbr.rel .LBB1_1-.Ltmp0, $4  }
0xa: {  	s13 =	simm.s32 $0x0;
	s1 =	rddreg [dreg:$0x2];
	s5 =	sadd.s32 s5, s7  }
0xb: {  	_ =	strace $0x8000004A;
	s4 =	simm.s32 $0x1;
	s5 =	smul.u32 $0x7, s5  }
0xc: {  	s6 =	sadd.s32 $0x800, s6;
	s12 =	smov.u32 s2;
	[sflag:s4] =	ssyncpa.u1 $0x0  }
0xd: {  	[sflag:s31] =	ssyncpa.u1 $0x0;
	p0 =	por $0x0, $0x0;
	s7 =	sadd.s32 $0x1, s5  }
.LBB1_4:
0xe: {  	s20 =	sshra.s32 s20, $0x2  }
0xf: {  	s28 =	sand.u32 $0x78, s10;
	s21 =	sshll.u32 s9, $0xE;
	s22 =	sshll.u32 s10, $0x3  }
0x10: {  	s24 =	sshll.u32 s9, $0x7;
	p1 =	sgt.s32 s9, $0x2C0;
	s30 =	sshra.s32 s9, $0x1F  }
0x11: {  	s26 =	sshra.s32 s10, $0x1F;
	s19 =	sadd.s32 s20, s19;
	s21 =	sand.u32 $0xFFFE0000, s21  }
0x12: {  	v5 =	vld [tilespmem:s17+$0xFFFFFFD0];
	[tilespmem:s18+$0x2040 ss:$0x81] =	vst.msk $0xffff, v4;
	s23 =	sand.u32 $0xFFFFFC00, s22;
	s29 =	sand.u32 $0x380, s24;
	s22 =	sand.u32 $0x3C00, s22  }
0x13: {  	v58 =	vld [tilespmem:s17+$0xFFFFFFE0];
	[tilespmem:s18+$0x2850 ss:$0x81] =	vst.msk $0xffff, v3;
	s21 =	sadd.s32 s23, s21;
	s20 =	sor.u32 s28, s22;
	s22 =	smov.u32 s9  }
0x14: {  	v59 =	vld [tilespmem:s17+$0xFFFFFFF0];
	[tilespmem:s18+$0x3060 ss:$0x81] =	vst.msk $0xffff, v2;
	s24 =	sand.u32 s30, s9;
	s21 =	sshrl.u32 s21, $0xE;
	s22 =	simm.s32 @!p1 $0x2C0  }
0x15: {  	v60 =	vld [tilespmem:s17+$0x0];
	[tilespmem:s18+$0x0 ss:$0x81] =	vst.msk $0xffff, v1;
	p1 =	sgt.s32 s10, $0x3F80;
	s31 =	ssub.s32 s22, s24;
	s22 =	smov.u32 s10  }
0x16: {  	v61 =	vld [tilespmem:s17+$0x10];
	[tilespmem:s19+$0x3870 ss:$0x81] =	vst.msk $0xffff, v0;
	s25 =	smulhi.u32 $0x4EC4ED, s21;
	s24 =	sand.u32 s26, s10;
	s22 =	simm.s32 @!p1 $0x3F80  }
0x17: {  	v62 =	vld [tilespmem:s17+$0x20];
	s20 =	sor.u32 s29, s20;
	[tilespmem:s19+$0x810 ss:$0x81] =	vst.msk $0xffff, v5;
	s27 =	sadd.s32 $0xFFFFFD40, s31;
	s22 =	ssub.s32 s22, s24  }
0x18: {  	v63 =	vld [tilespmem:s17+$0xFFFFFFC0];
	[tilespmem:s19+$0x1020 ss:$0x81] =	vst.msk $0xffff, v58;
	s18 =	ssub.s32 $0x340, s31;
	s28 =	smul.u32 $0x340, s25;
	s29 =	sadd.s32 $0xFFFFC080, s22  }
0x19: {  	[tilespmem:s19+$0x1830 ss:$0x81] =	vst.msk $0xffff, v59;
	p1 =	sgt.s32 s27, $0x7F;
	s22 =	ssub.s32 $0x4000, s22;
	p2 =	sgt.s32 s29, $0x7F  }
0x1a: {  	s30 =	sand.u32 $0x7, s10;
	[tilespmem:s19+$0x2040 ss:$0x81] =	vst.msk $0xffff, v60;
	s18 =	simm.s32 @p1 $0x0;
	s22 =	simm.s32 @p2 $0x0  }
0x1b: {  	s20 =	sshrl.u32 s20, $0x3;
	[tilespmem:s19+$0x2850 ss:$0x81] =	vst.msk $0xffff, v61;
	s17 =	ssub.s32 s21, s28;
	s18 =	smul.u32 s22, s18  }
0x1c: {  	[tilespmem:s19+$0x3060 ss:$0x81] =	vst.msk $0xffff, v62;
	s20 =	sadd.s32 s3, s20;
	s21 =	sshll.u32 s30, $0x12;
	s17 =	sshll.u32 s17, $0xB  }
0x1d: {  	[tilespmem:s19+$0x0 ss:$0x81] =	vst.msk $0xffff, v63;
	s31 =	sor.u32 $0x400, s21;
	s17 =	sadd.s32 s17, s20;
	s18 =	sand.u32 $0x3FFFFFFF, s18  }
0x1e: {  	[hbm4b:s17+s31] =	stream.strided.scatter [tilespmem:s16], [sflag:$0x2], s18, s8, s31, $0x20;
	[tilespmem:$0x10100] =	vst v63  }
.LBB1_5:
0x1f: {  	p1 =	slt.u32 s13, $0x2  }
0x20: {  	s17 =	smov.u32 s15;
	p2 =	sgt.s32 @!p1 s15, $0x2C0;
	s16 =	sshra.s32 @!p1 s15, $0x1F  }
0x21: {  	p3 =	sgt.s32 @!p1 s14, $0x3F80;
	s18 =	sshra.s32 @!p1 s14, $0x1F;
	p2 =	por !p2, p1  }
0x22: {  	s15 =	sand.u32 @!p1 s16, s15;
	p3 =	por !p3, p1;
	s16 =	smov.u32 s14  }
0x23: {  	s14 =	sand.u32 @!p1 s18, s14;
	s17 =	simm.s32 @p2 $0x2C0;
	s16 =	simm.s32 @p3 $0x3F80  }
0x24: {  	s15 =	ssub.s32 @!p1 s17, s15;
	s14 =	ssub.s32 @!p1 s16, s14  }
0x25: {  	s18 =	smov.u32 s12;
	s16 =	sadd.s32 @!p1 $0xFFFFFD40, s15;
	s17 =	sadd.s32 @!p1 $0xFFFFC080, s14  }
0x26: {  	s15 =	ssub.s32 @!p1 $0x340, s15;
	p2 =	sgt.s32 @!p1 s16, $0x7F;
	p3 =	sgt.s32 @!p1 s17, $0x7F  }
0x27: {  	s14 =	ssub.s32 @!p1 $0x4000, s14;
	p2 =	por !p2, p1;
	p3 =	por !p3, p1  }
0x28: {  	s16 =	sadd.s32 $0x80, s11;
	s15 =	simm.s32 @!p2 $0x0;
	s14 =	simm.s32 @!p3 $0x0  }
0x29: {  	p2 =	sgt.s32 s16, $0x33F;
	s14 =	smul.u32 @!p1 s14, s15;
	s15 =	sadd.s32 $0x1000, s12  }
0x2a: {  	s18 =	smov.u32 @p2 s15  }
0x2b: {  	s16 =	simm.s32 @p2 $0x0;
	p2 =	sgt.s32 s18, $0x3FFF  }
0x2c: {  	s18 =	smov.u32 @p2 s2;
	p2 =	sne.s32 s13, s7  }
.Ltmp1:
0x2d: {  	p0 =	por !p0, !p0;
	s17 =	simm.s32 @!p1 $0x2;
	(pc) =	sbr.rel @!p2 .LBB1_6-.Ltmp1, $4  }
0x2e: {  	s15 =	smov.u32 s9;
	s9 =	smov.u32 s11;
	s14 =	sand.u32 @!p1 $0x3FFFFFFF, s14  }
0x2f: {  	s11 =	smov.u32 s16;
	_ =	swait.ge @!p1 [sflag:s17], s14;
	s19 =	ssub.s32 @!p1 $0x0, s14  }
0x30: {  	s14 =	smov.u32 s10;
	s13 =	sadd.s32 $0x1, s13;
	[sflag:s17] =	ssyncset.done @!p1 $0x0  }
0x31: {  	s10 =	smov.u32 s12;
	s12 =	smov.u32 s18;
	[sflag:s17] =	ssyncadd.s32 @!p1 s19  }
.LBB1_1:
0x32: {  	p1 =	sge.u32 s13, s5  }
0x33: {  	s16 =	sshrl.u32 @!p1 s12, $0x3  }
0x34: {  	s17 =	sshll.u32 @!p1 s11, $0x3;
	s16 =	smul.u32 @!p1 $0x1C00, s16  }
0x35: {  	s18 =	sshll.u32 @!p1 s12, $0x7;
	s17 =	sand.u32 @!p1 $0xFFFFFC00, s17  }
0x36: {  	s16 =	sadd.s32 @!p1 s16, s17;
	s17 =	sand.u32 @!p1 $0x380, s18  }
0x37: {  	s16 =	sor.u32 @!p1 s17, s16  }
0x38: {  	s17 =	sshrl.u32 @!p1 s16, $0x7  }
0x39: {  	s17 =	smulhi.u32 @!p1 $0x24924925, s17;
	_ =	sdelay $0x1  }
0x3a: {  	s18 =	sand.u32 @!p1 $0x7F, s11;
	s19 =	smul.u32 @!p1 $0x380, s17  }
0x3b: {  	s31 =	sadd.s32 $0xFFFFFFFF, s13;
	s16 =	sor.u32 @!p1 s18, s16;
	s18 =	sxor.u32 @!p1 $0xFFFFFFFF, s13  }
0x3c: {  	s18 =	sshll.u32 @!p1 s18, $0xE;
	s17 =	sand.u32 @!p1 $0x3FFF, s17;
	s16 =	ssub.s32 @!p1 s16, s19  }
0x3d: {  	s17 =	smul.u32 @!p1 $0x70, s17;
	s19 =	sshrl.u32 @!p1 s16, $0x3;
	s16 =	sand.u32 @!p1 $0x7, s16  }
0x3e: {  	s18 =	sand.u32 @!p1 $0x4000, s18;
	s19 =	sadd.s32 @!p1 s6, s19;
	s16 =	sshll.u32 @!p1 s16, $0x12  }
0x3f: {  	s17 =	sadd.s32 @!p1 s17, s19;
	s16 =	sor.u32 @!p1 $0x400, s16;
	s19 =	simm.s32 @!p1 $0x1C00  }
0x40: {  	[tilespmem:s18], [sflag:$0x1] =	stream.strided.gather @!p1 [hbm4b:s17+s16], $0x4000, s19, s16, $0x38;
	[tilespmem:$0x10100] =	vst v63  }
0x41: {  	p1 =	sge.u32 s31, s5  }
.Ltmp2:
0x42: {  	_ = 	snop;
	(pc) =	sbr.rel @p1 .LBB1_5-.Ltmp2, $1  }
0x43: {  	_ =	sdelay $0x3  }
0x44: {  	s16 =	simm.s32 $0x1  }
0x45: {  	_ =	swait.ge [sflag:s4], $0x4000;
	s16 =	simm.s32 @!p0 $0x0  }
0x46: {  	[sflag:s4] =	ssyncset.done $0x0;
	s17 =	sshll.u32 s16, $0xE  }
0x47: {  	[sflag:s4] =	ssyncadd.s32 $0xFFFFC000;
	s17 =	sor.u32 $0x40, s17  }
0x48: {  	s16 =	smul.u32 $0x10200, s16;
	v0 =	vld [tilespmem:s17+$0x30]  }
0x49: {  	v1 =	vld [tilespmem:s17+$0xFFFFFFD0]  }
0x4a: {  	s16 =	sshrl.u32 s16, $0x2;
	v5 =	vld [tilespmem:s17+$0xFFFFFFE0]  }
0x4b: {  	v6 =	vld [tilespmem:s17+$0xFFFFFFF0];
	s19 =	sor.u32 $0x8000, s16  }
0x4c: {  	s31 =	sand.u32 $0x1, s13;
	v4 =	vld [tilespmem:s17+$0x0];
	s18 =	sadd.s32 $0x0, s19  }
0x4d: {  	v3 =	vld [tilespmem:s17+$0x10];
	s16 =	smul.u32 $0x10200, s31;
	[tilespmem:s18+$0x3870 ss:$0x81] =	vst.msk $0xffff, v0  }
0x4e: {  	v2 =	vld [tilespmem:s17+$0x20];
	[tilespmem:s18+$0x810 ss:$0x81] =	vst.msk $0xffff, v1  }
0x4f: {  	s16 =	sshrl.u32 s16, $0x2;
	v1 =	vld [tilespmem:s17+$0xFFFFFFC0];
	[tilespmem:s18+$0x1020 ss:$0x81] =	vst.msk $0xffff, v5;
	s17 =	sadd.s32 $0x80, s17  }
0x50: {  	s20 =	simm.s32 $0x4;
	s21 =	simm.s32 $0x8;
	s16 =	sor.u32 $0x8000, s16;
	[tilespmem:s18+$0x1830 ss:$0x81] =	vst.msk $0xffff, v6;
	v0 =	vld [tilespmem:s17+$0x30]  }
.LBB1_3:
0x51: {  	p1 =	sne.s32 s21, $0x1FC;
	v5 =	vld [tilespmem:s17+$0xFFFFFFD0];
	[tilespmem:s18+$0x2040 ss:$0x81] =	vst.msk $0xffff, v4  }
0x52: {  	v6 =	vld [tilespmem:s17+$0xFFFFFFE0];
	[tilespmem:s18+$0x2850 ss:$0x81] =	vst.msk $0xffff, v3  }
0x53: {  	s22 =	sshra.s32 s20, $0x2;
	s20 =	smov.u32 s21;
	v7 =	vld [tilespmem:s17+$0xFFFFFFF0];
	[tilespmem:s18+$0x3060 ss:$0x81] =	vst.msk $0xffff, v2  }
.Ltmp3:
0x54: {  	v4 =	vld [tilespmem:s17+$0x0];
	[tilespmem:s18+$0x0 ss:$0x81] =	vst.msk $0xffff, v1;
	s18 =	sadd.s32 s22, s19;
	(pc) =	sbr.rel @p1 .LBB1_3-.Ltmp3, $4  }
0x55: {  	v3 =	vld [tilespmem:s17+$0x10];
	[tilespmem:s18+$0x3870 ss:$0x81] =	vst.msk $0xffff, v0  }
0x56: {  	[tilespmem:s18+$0x810 ss:$0x81] =	vst.msk $0xffff, v5;
	v2 =	vld [tilespmem:s17+$0x20]  }
0x57: {  	v1 =	vld [tilespmem:s17+$0xFFFFFFC0];
	[tilespmem:s18+$0x1020 ss:$0x81] =	vst.msk $0xffff, v6;
	s17 =	sadd.s32 $0x80, s17  }
0x58: {  	s21 =	sadd.s32 $0x4, s21;
	v0 =	vld [tilespmem:s17+$0x30];
	[tilespmem:s18+$0x1830 ss:$0x81] =	vst.msk $0xffff, v7  }
.Ltmp4:
0x59: {  	_ = 	snop;
	(pc) =	sbr.rel .LBB1_4-.Ltmp4, $1  }
0x5a: {  	_ =	sdelay $0x3  }
.LBB1_6:
0x5b: {  	_ =	sfence.sel $0x180000  }
0x5c: {  	s2 =	simm.s32 $0x1;
	[bflag:$0x0] =	sbarrier.arrive $0xFFFF  }
0x5d: {  	s31 =	simm.s32 $0x2;
	[sflag:s2] =	ssyncpa.u1 $0x1  }
0x5e: {  	[sflag:s31] =	ssyncpa.u1 $0x1  }
0x5f: {  	p0 =	sne.s32 s0, $0x0;
	_ =	strace $0x9000004A  }
0x60: {  	s0 =	sadd.s32 @!p0 $0x100000, s1;
	[bflag:$0x2] =	sbarrier.arrive $0xFFFF  }
0x61: {  	[sflag:s0] =	ssyncadd.tile.s32 @!p0 $0x1;
	_ =	shalt  }
.Lfunc_end1:
_tile_overlayer_lowered:
.L_overlay_start_2:
0x62: {  	(tag) =	ssettag $0x2  }
0x63: {  	s0 =	rddreg [dreg:$0x0];
	s2 =	stileid.u32  }
0x64: {  	s1 =	rddreg [dreg:$0x1];
	p0 =	sne.s32 s2, $0x0  }
0x65: {  	s3 =	rddreg [dreg:$0x2];
	[bflag:$0x3] =	sbarrier.arrive $0xFFFF;
	s2 =	simm.s32 @!p0 $0x1C01  }
0x66: {  	[timem:s3], [sflag:s2] =	dma.local @!p0 [hbm:s0], s1  }
0x67: {  	s0 =	simm.s32 @!p0 $0x1  }
0x68: {  	_ =	swait.ge @!p0 [sflag:s0], s1  }
0x69: {  	s1 =	ssub.s32 @!p0 $0x0, s1;
	[sflag:s0] =	ssyncset.done @!p0 $0x0  }
0x6a: {  	[sflag:s0] =	ssyncadd.s32 @!p0 s1  }
0x6b: {  	[bflag:$0x3] =	sbarrier.arrive $0xFFFF  }
0x6c: {  	_ =	shalt  }

</sc_bundles>
